<compile_context>
chip_gen: v7x
topology: tpu7x:2x2x1
jax: 0.10.2.dev20260603
libtpu: 0.0.44.dev20260713+nightly
codegen_flags: <defaults>
</compile_context>

<pallas_src>
import functools

import jax
import jax.numpy as jnp
from jax import lax
from jax.experimental import pallas as pl
from jax.experimental.pallas import tpu as pltpu
from jax.experimental.pallas import tpu_sc as plsc

NUM_USERS = 4000
NUM_ITEMS = 6000
N = NUM_USERS + NUM_ITEMS
D = 128
HD = D // 2
E = 320000
HB = 80
NPAD = HB * 128
NC = 2
NS = 16
NW = NC * NS
EPW = E // NW
RPT = NPAD // NS
KC = 256
NCHT = 80
NBUF = 4
EPAD = NS * NCHT * KC

_mesh = plsc.VectorSubcoreMesh(core_axis_name="c", subcore_axis_name="s")


@functools.partial(
    pl.kernel,
    out_type=jax.ShapeDtypeStruct((NW, 2, NPAD), jnp.float32),
    mesh=_mesh,
    scratch_types=[
        pltpu.VMEM((EPW,), jnp.int32),
        pltpu.VMEM((NPAD,), jnp.float32),
    ],
    compiler_params=pltpu.CompilerParams(needs_layout_passes=False),
)
def _hist_kernel(src_hbm, dst_hbm, zflat_hbm, out_hbm, ebuf, hist):
    c = lax.axis_index("c")
    s = lax.axis_index("s")
    wid = c * NS + s
    base = wid * EPW
    ones = jnp.ones((16,), jnp.float32)

    for kind, edges in ((0, src_hbm), (1, dst_hbm)):
        pltpu.sync_copy(zflat_hbm, hist)
        pltpu.sync_copy(edges.at[pl.ds(base, EPW)], ebuf)

        def body(i, _, kind=kind):
            idx = ebuf[pl.ds(i * 16, 16)]
            plsc.addupdate_scatter(hist, [idx], ones)
            return 0

        lax.fori_loop(0, EPW // 16, body, 0)
        pltpu.sync_copy(hist, out_hbm.at[wid, kind])


@functools.partial(
    pl.kernel,
    out_type=(
        jax.ShapeDtypeStruct((NPAD, HD), jnp.bfloat16),
        jax.ShapeDtypeStruct((NPAD, HD), jnp.bfloat16),
    ),
    mesh=_mesh,
    scratch_types=[
        pltpu.VMEM((NCHT, KC), jnp.int32),
        pltpu.VMEM((NCHT, KC), jnp.int32),
        pltpu.VMEM((KC, HD), jnp.bfloat16),
        pltpu.VMEM((KC, HD), jnp.bfloat16),
        pltpu.VMEM((KC, HD), jnp.bfloat16),
        pltpu.VMEM((KC, HD), jnp.bfloat16),
        pltpu.VMEM_SHARED((NPAD, HD), jnp.bfloat16),
        pltpu.SemaphoreType.DMA,
        pltpu.SemaphoreType.DMA,
        pltpu.SemaphoreType.DMA,
        pltpu.SemaphoreType.DMA,
    ],
    compiler_params=pltpu.CompilerParams(
        needs_layout_passes=False, use_tc_tiling_on_sc=False),
)
def _seg_kernel(ga_hbm, gb_hbm, src3_hbm, dst3_hbm, zrows_hbm, out0, out1,
                sidx2, didx2, r0, r1, r2, r3, acc, g0, g1, g2, g3):
    c = lax.axis_index("c")
    s = lax.axis_index("s")
    rows = (r0, r1, r2, r3)
    gsem = (g0, g1, g2, g3)

    pltpu.sync_copy(zrows_hbm, acc.at[pl.ds(s * RPT, RPT)])
    pltpu.sync_copy(src3_hbm.at[s], sidx2)
    pltpu.sync_copy(dst3_hbm.at[s], didx2)
    plsc.subcore_barrier()

    def start(ch, b):
        @pl.when(c == 0)
        def _():
            pltpu.async_copy(ga_hbm.at[sidx2.at[ch]], rows[b], gsem[b])

        @pl.when(c == 1)
        def _():
            pltpu.async_copy(gb_hbm.at[sidx2.at[ch]], rows[b], gsem[b])

    for b in range(NBUF):
        start(b, b)

    def group(i, _):
        for b in range(NBUF):
            ch = i * NBUF + b
            pltpu.make_async_copy(ga_hbm.at[sidx2.at[0]], rows[b],
                                  gsem[b]).wait()
            pltpu.sync_copy(rows[b], acc.at[didx2.at[ch]], add=True)
            nx = ch + NBUF

            @pl.when(nx < NCHT)
            def _(b=b, nx=nx):
                start(nx, b)
        return 0

    lax.fori_loop(0, NCHT // NBUF, group, 0)
    plsc.subcore_barrier()

    @pl.when(c == 0)
    def _():
        pltpu.sync_copy(acc.at[pl.ds(s * RPT, RPT)],
                        out0.at[pl.ds(s * RPT, RPT)])

    @pl.when(c == 1)
    def _():
        pltpu.sync_copy(acc.at[pl.ds(s * RPT, RPT)],
                        out1.at[pl.ds(s * RPT, RPT)])


def _norm_body(hist_ref, out_ref):
    i = pl.program_id(0)

    @pl.when(i == 0)
    def _():
        out_ref[...] = jnp.zeros_like(out_ref)

    out_ref[...] += hist_ref[0]

    @pl.when(i == NW - 1)
    def _():
        out_ref[...] = lax.rsqrt(jnp.maximum(out_ref[...], 1.0))


def _norms(hist):
    return pl.pallas_call(
        _norm_body,
        grid=(NW,),
        in_specs=[pl.BlockSpec((1, 2, HB, 128), lambda i: (i, 0, 0, 0))],
        out_specs=pl.BlockSpec((2, HB, 128), lambda i: (0, 0, 0)),
        out_shape=jax.ShapeDtypeStruct((2, HB, 128), jnp.float32),
    )(hist)


_RB = 1024

_FULL = pl.BlockSpec((_RB, D), lambda i: (i, 0))
_HALF = pl.BlockSpec((_RB, HD), lambda i: (i, 0))
_COL = pl.BlockSpec((_RB, 1), lambda i: (i, 0))
_GRID = (NPAD // _RB,)
_HSHAPE = jax.ShapeDtypeStruct((NPAD, HD), jnp.bfloat16)
_FSHAPE = jax.ShapeDtypeStruct((NPAD, D), jnp.float32)


def _scale_body(h_ref, no_ref, ga_ref, gb_ref):
    g = (h_ref[...] * no_ref[...]).astype(jnp.bfloat16)
    ga_ref[...] = g[:, :HD]
    gb_ref[...] = g[:, HD:]


def _scale(h, no_col):
    return pl.pallas_call(
        _scale_body,
        grid=_GRID,
        in_specs=[_FULL, _COL],
        out_specs=[_HALF, _HALF],
        out_shape=[_HSHAPE, _HSHAPE],
    )(h, no_col)


def _mid_body(pa_ref, pb_ref, ni_ref, no_ref, h_ref, ga_ref, gb_ref):
    p = jnp.concatenate(
        [pa_ref[...], pb_ref[...]], axis=1).astype(jnp.float32)
    h = p * ni_ref[...]
    h_ref[...] = h
    g = (h * no_ref[...]).astype(jnp.bfloat16)
    ga_ref[...] = g[:, :HD]
    gb_ref[...] = g[:, HD:]


def _mid(pa, pb, ni_col, no_col):
    return pl.pallas_call(
        _mid_body,
        grid=_GRID,
        in_specs=[_HALF, _HALF, _COL, _COL],
        out_specs=[_FULL, _HALF, _HALF],
        out_shape=[_FSHAPE, _HSHAPE, _HSHAPE],
    )(pa, pb, ni_col, no_col)


def _final_body(h0_ref, h1_ref, qa_ref, qb_ref, ni_ref, out_ref):
    q = jnp.concatenate(
        [qa_ref[...], qb_ref[...]], axis=1).astype(jnp.float32)
    h2 = q * ni_ref[...]
    out_ref[...] = (h0_ref[...] + h1_ref[...] + h2) * (1.0 / 3.0)


def _final(h0, h1, qa, qb, ni_col):
    return pl.pallas_call(
        _final_body,
        grid=_GRID,
        in_specs=[_FULL, _FULL, _HALF, _HALF, _COL],
        out_specs=_FULL,
        out_shape=_FSHAPE,
    )(h0, h1, qa, qb, ni_col)


def kernel(user_embeds, item_embeds, edge_index):
    src = edge_index[0]
    dst = edge_index[1]
    pad = jnp.full((EPAD - E,), NPAD - 1, jnp.int32)
    src3 = jnp.concatenate([src, pad]).reshape(NS, NCHT, KC)
    dst3 = jnp.concatenate([dst, pad]).reshape(NS, NCHT, KC)
    h0 = jnp.concatenate(
        [user_embeds, item_embeds,
         jnp.zeros((NPAD - N, D), jnp.float32)], axis=0)
    zrows = jnp.zeros((RPT, HD), jnp.bfloat16)
    zflat = jnp.zeros((NPAD,), jnp.float32)

    hist = _hist_kernel(src, dst, zflat).reshape(NW, 2, HB, 128)
    norms = _norms(hist).reshape(2, NPAD)
    no_col = norms[0].reshape(NPAD, 1)
    ni_col = norms[1].reshape(NPAD, 1)

    g1a, g1b = _scale(h0, no_col)
    pa, pb = _seg_kernel(g1a, g1b, src3, dst3, zrows)
    h1, g2a, g2b = _mid(pa, pb, ni_col, no_col)
    qa, qb = _seg_kernel(g2a, g2b, src3, dst3, zrows)
    final = _final(h0, h1, qa, qb, ni_col)
    return (final[:NUM_USERS], final[NUM_USERS:N])

# --- scband reference (transcript-rebuilt; emitter-appended) ---
"""Pipeline reference for scband-sgl-gnn-58394375356509 (READ-ONLY COPY).

The authoritative reference and input builder live on the scoring server;
editing this copy changes nothing except your own understanding.
"""

import jax, jax.numpy as jnp
import numpy as np

NUM_USERS = 4000
NUM_ITEMS = 6000
N_NODES = NUM_USERS + NUM_ITEMS
N_EDGES = 320000
EMBED_DIM = 128
NUM_LAYERS = 2


def setup_inputs(seed: int = 0) -> dict:
    key = jax.random.key(seed)
    k1, k2, k3 = jax.random.split(key, 3)
    user_embeds = jax.random.normal(k1, (NUM_USERS, EMBED_DIM), dtype=jnp.float32) * 0.1
    item_embeds = jax.random.normal(k2, (NUM_ITEMS, EMBED_DIM), dtype=jnp.float32) * 0.1
    edge_index = jax.random.randint(k3, (2, N_EDGES), 0, N_NODES, dtype=jnp.int32)
    return {"user_embeds": user_embeds, "item_embeds": item_embeds, "edge_index": edge_index}


def reference(user_embeds, item_embeds, edge_index):
    # SGL_GNN.forward with user_indices=None, item_indices=None, for_contrastive=False,
    # sgl_dropout_rate=0 (edge dropout disabled) -> plain LightGCN propagation on the full graph.
    src = edge_index[0]
    dst = edge_index[1]

    # out_degrees / in_degrees, clamped to min 1
    deg_out = jnp.maximum(jnp.bincount(src, length=N_NODES).astype(jnp.float32), 1.0)
    deg_in = jnp.maximum(jnp.bincount(dst, length=N_NODES).astype(jnp.float32), 1.0)
    norm_src = 1.0 / jnp.sqrt(deg_out)
    norm_dst = 1.0 / jnp.sqrt(deg_in)

    # per-edge weight: norm_u * norm_v
    w = norm_src[src] * norm_dst[dst]  # [E]

    h = jnp.concatenate([user_embeds, item_embeds], axis=0)  # [N, D]
    layer_embeddings = [h]
    for _ in range(NUM_LAYERS):
        # u_mul_e('h','weight','m') then fn.sum('m','h_out'):
        # gather source features, scale by edge weight, scatter-add to dst
        messages = h[src] * w[:, None]  # [E, D]
        h = jax.ops.segment_sum(messages, dst, num_segments=N_NODES)
        layer_embeddings.append(h)

    final = jnp.mean(jnp.stack(layer_embeddings, axis=1), axis=1)  # [N, D]
    final_user_embeds = final[:NUM_USERS]
    final_item_embeds = final[NUM_USERS:]
    return (final_user_embeds, final_item_embeds)

if __name__ == "__main__":
    import jax
    _d = setup_inputs()
    print(jax.jit(kernel)(*tuple(_d.values())))

</pallas_src>

<mosaic_0001>
#map = affine_map<(d0, d1) -> (0, 0)>
#map1 = affine_map<(d0, d1) -> (0, 0, 0)>
module attributes {stable_mosaic.version = 14 : i64} {
  func.func @_seg_kernel(%arg0: i32, %arg1: i32, %arg2: memref<10240x64xbf16, #tpu.memory_space<hbm>>, %arg3: memref<10240x64xbf16, #tpu.memory_space<hbm>>, %arg4: memref<16x80x256xi32, #tpu.memory_space<hbm>>, %arg5: memref<16x80x256xi32, #tpu.memory_space<hbm>>, %arg6: memref<640x64xbf16, #tpu.memory_space<hbm>>, %arg7: memref<10240x64xbf16, #tpu.memory_space<hbm>>, %arg8: memref<10240x64xbf16, #tpu.memory_space<hbm>>, %arg9: memref<80x256xi32, #tpu.memory_space<vmem>>, %arg10: memref<80x256xi32, #tpu.memory_space<vmem>>, %arg11: memref<256x64xbf16, #tpu.memory_space<vmem>>, %arg12: memref<256x64xbf16, #tpu.memory_space<vmem>>, %arg13: memref<256x64xbf16, #tpu.memory_space<vmem>>, %arg14: memref<256x64xbf16, #tpu.memory_space<vmem>>, %arg15: memref<10240x64xbf16, #tpu.memory_space<vmem_shared>>, %arg16: memref<!tpu.dma_semaphore, #tpu.memory_space<semaphore_mem>>, %arg17: memref<!tpu.dma_semaphore, #tpu.memory_space<semaphore_mem>>, %arg18: memref<!tpu.dma_semaphore, #tpu.memory_space<semaphore_mem>>, %arg19: memref<!tpu.dma_semaphore, #tpu.memory_space<semaphore_mem>>) attributes {dimension_semantics = [#tpu.dimension_semantics<core_parallel>, #tpu.dimension_semantics<subcore_parallel>], iteration_bounds = array<i64: 2, 16>, scalar_prefetch = 0 : i64, scratch_operands = 11 : i64, tpu.core_type = #tpu.core_type<sc_vector_subcore>, window_params = [{transform_indices = #map}, {transform_indices = #map}, {transform_indices = #map1}, {transform_indices = #map1}, {transform_indices = #map}, {transform_indices = #map}, {transform_indices = #map}]} {
    %mul3A = arith.constant 640 : i32
    %mul3A_0 = arith.muli %arg1, %mul3A : i32
    "tpu.region"() ({
      %run_scoped3A = tpu.sem_alloc : memref<!tpu.dma_semaphore, #tpu.memory_space<semaphore_mem>>
      %dma_start3A = arith.constant 0 : i32
      %dma_start3A_55 = tpu.memref_slice %arg15[%mul3A_0, %dma_start3A] : memref<10240x64xbf16, #tpu.memory_space<vmem_shared>> -> memref<640x64xbf16, #tpu.memory_space<vmem_shared>>
      tpu.enqueue_dma source(%arg6 : memref<640x64xbf16, #tpu.memory_space<hbm>>) target(%dma_start3A_55 : memref<640x64xbf16, #tpu.memory_space<vmem_shared>>) target_semaphore(%run_scoped3A : memref<!tpu.dma_semaphore, #tpu.memory_space<semaphore_mem>>)
      %dma_wait3A = arith.constant 0 : i32
      %dma_wait3A_56 = tpu.memref_slice %arg15[%mul3A_0, %dma_wait3A] : memref<10240x64xbf16, #tpu.memory_space<vmem_shared>> -> memref<640x64xbf16, #tpu.memory_space<vmem_shared>>
      tpu.wait_dma2 semaphore(%run_scoped3A : memref<!tpu.dma_semaphore, #tpu.memory_space<semaphore_mem>>) src(%arg6 : memref<640x64xbf16, #tpu.memory_space<hbm>>) dst(%dma_wait3A_56 : memref<640x64xbf16, #tpu.memory_space<vmem_shared>>)
      tpu.yield
    }) : () -> ()
    "tpu.region"() ({
      %run_scoped3A = tpu.sem_alloc : memref<!tpu.dma_semaphore, #tpu.memory_space<semaphore_mem>>
      %dma_start3A = arith.constant 0 : i32
      %dma_start3A_55 = arith.constant 0 : i32
      %dma_start3A_56 = tpu.memref_slice %arg4[%arg1, %dma_start3A, %dma_start3A_55] : memref<16x80x256xi32, #tpu.memory_space<hbm>> -> memref<1x80x256xi32, #tpu.memory_space<hbm>>
      %dma_start3A_57 = tpu.memref_squeeze %dma_start3A_56 : memref<1x80x256xi32, #tpu.memory_space<hbm>> -> memref<80x256xi32, #tpu.memory_space<hbm>>
      %dma_start3A_58 = arith.constant 0 : i32
      %dma_start3A_59 = arith.constant 0 : i32
      %dma_start3A_60 = tpu.memref_slice %arg4[%arg1, %dma_start3A_58, %dma_start3A_59] : memref<16x80x256xi32, #tpu.memory_space<hbm>> -> memref<1x80x256xi32, #tpu.memory_space<hbm>>
      %dma_start3A_61 = tpu.memref_squeeze %dma_start3A_60 : memref<1x80x256xi32, #tpu.memory_space<hbm>> -> memref<80x256xi32, #tpu.memory_space<hbm>>
      tpu.enqueue_dma source(%dma_start3A_61 : memref<80x256xi32, #tpu.memory_space<hbm>>) target(%arg9 : memref<80x256xi32, #tpu.memory_space<vmem>>) target_semaphore(%run_scoped3A : memref<!tpu.dma_semaphore, #tpu.memory_space<semaphore_mem>>)
      %dma_wait3A = arith.constant 0 : i32
      %dma_wait3A_62 = arith.constant 0 : i32
      %dma_wait3A_63 = tpu.memref_slice %arg4[%arg1, %dma_wait3A, %dma_wait3A_62] : memref<16x80x256xi32, #tpu.memory_space<hbm>> -> memref<1x80x256xi32, #tpu.memory_space<hbm>>
      %dma_wait3A_64 = tpu.memref_squeeze %dma_wait3A_63 : memref<1x80x256xi32, #tpu.memory_space<hbm>> -> memref<80x256xi32, #tpu.memory_space<hbm>>
      %dma_wait3A_65 = arith.constant 0 : i32
      %dma_wait3A_66 = arith.constant 0 : i32
      %dma_wait3A_67 = tpu.memref_slice %arg4[%arg1, %dma_wait3A_65, %dma_wait3A_66] : memref<16x80x256xi32, #tpu.memory_space<hbm>> -> memref<1x80x256xi32, #tpu.memory_space<hbm>>
      %dma_wait3A_68 = tpu.memref_squeeze %dma_wait3A_67 : memref<1x80x256xi32, #tpu.memory_space<hbm>> -> memref<80x256xi32, #tpu.memory_space<hbm>>
      tpu.wait_dma2 semaphore(%run_scoped3A : memref<!tpu.dma_semaphore, #tpu.memory_space<semaphore_mem>>) src(%dma_wait3A_68 : memref<80x256xi32, #tpu.memory_space<hbm>>) dst(%arg9 : memref<80x256xi32, #tpu.memory_space<vmem>>)
      tpu.yield
    }) : () -> ()
    "tpu.region"() ({
      %run_scoped3A = tpu.sem_alloc : memref<!tpu.dma_semaphore, #tpu.memory_space<semaphore_mem>>
      %dma_start3A = arith.constant 0 : i32
      %dma_start3A_55 = arith.constant 0 : i32
      %dma_start3A_56 = tpu.memref_slice %arg5[%arg1, %dma_start3A, %dma_start3A_55] : memref<16x80x256xi32, #tpu.memory_space<hbm>> -> memref<1x80x256xi32, #tpu.memory_space<hbm>>
      %dma_start3A_57 = tpu.memref_squeeze %dma_start3A_56 : memref<1x80x256xi32, #tpu.memory_space<hbm>> -> memref<80x256xi32, #tpu.memory_space<hbm>>
      %dma_start3A_58 = arith.constant 0 : i32
      %dma_start3A_59 = arith.constant 0 : i32
      %dma_start3A_60 = tpu.memref_slice %arg5[%arg1, %dma_start3A_58, %dma_start3A_59] : memref<16x80x256xi32, #tpu.memory_space<hbm>> -> memref<1x80x256xi32, #tpu.memory_space<hbm>>
      %dma_start3A_61 = tpu.memref_squeeze %dma_start3A_60 : memref<1x80x256xi32, #tpu.memory_space<hbm>> -> memref<80x256xi32, #tpu.memory_space<hbm>>
      tpu.enqueue_dma source(%dma_start3A_61 : memref<80x256xi32, #tpu.memory_space<hbm>>) target(%arg10 : memref<80x256xi32, #tpu.memory_space<vmem>>) target_semaphore(%run_scoped3A : memref<!tpu.dma_semaphore, #tpu.memory_space<semaphore_mem>>)
      %dma_wait3A = arith.constant 0 : i32
      %dma_wait3A_62 = arith.constant 0 : i32
      %dma_wait3A_63 = tpu.memref_slice %arg5[%arg1, %dma_wait3A, %dma_wait3A_62] : memref<16x80x256xi32, #tpu.memory_space<hbm>> -> memref<1x80x256xi32, #tpu.memory_space<hbm>>
      %dma_wait3A_64 = tpu.memref_squeeze %dma_wait3A_63 : memref<1x80x256xi32, #tpu.memory_space<hbm>> -> memref<80x256xi32, #tpu.memory_space<hbm>>
      %dma_wait3A_65 = arith.constant 0 : i32
      %dma_wait3A_66 = arith.constant 0 : i32
      %dma_wait3A_67 = tpu.memref_slice %arg5[%arg1, %dma_wait3A_65, %dma_wait3A_66] : memref<16x80x256xi32, #tpu.memory_space<hbm>> -> memref<1x80x256xi32, #tpu.memory_space<hbm>>
      %dma_wait3A_68 = tpu.memref_squeeze %dma_wait3A_67 : memref<1x80x256xi32, #tpu.memory_space<hbm>> -> memref<80x256xi32, #tpu.memory_space<hbm>>
      tpu.wait_dma2 semaphore(%run_scoped3A : memref<!tpu.dma_semaphore, #tpu.memory_space<semaphore_mem>>) src(%dma_wait3A_68 : memref<80x256xi32, #tpu.memory_space<hbm>>) dst(%arg10 : memref<80x256xi32, #tpu.memory_space<vmem>>)
      tpu.yield
    }) : () -> ()
    %barrier3A = arith.constant 0 : index
    tpu.barrier barrier_id(%barrier3A)
    %eq3A = arith.constant 0 : i32
    %eq3A_1 = arith.cmpi eq, %arg0, %eq3A : i32
    %convert_element_type3A = arith.extui %eq3A_1 : i1 to i32
    %cond3A = arith.constant 0 : i32
    %cond3A_2 = arith.cmpi ne, %convert_element_type3A, %cond3A : i32
    scf.if %cond3A_2 {
      %dma_start3A = arith.constant 0 : i32
      %dma_start3A_55 = arith.constant 0 : i32
      %dma_start3A_56 = tpu.memref_slice %arg9[%dma_start3A, %dma_start3A_55] : memref<80x256xi32, #tpu.memory_space<vmem>> -> memref<1x256xi32, #tpu.memory_space<vmem>>
      %dma_start3A_57 = tpu.memref_squeeze %dma_start3A_56 : memref<1x256xi32, #tpu.memory_space<vmem>> -> memref<256xi32, #tpu.memory_space<vmem>>
      %dma_start3A_58 = arith.constant 0 : i32
      %dma_start3A_59 = arith.constant 0 : i32
      %dma_start3A_60 = tpu.memref_slice %arg2[%dma_start3A_58, %dma_start3A_59] : memref<10240x64xbf16, #tpu.memory_space<hbm>> -> memref<10240x64xbf16, #tpu.memory_space<hbm>>
      tpu.enqueue_indirect_dma source(%dma_start3A_60 : memref<10240x64xbf16, #tpu.memory_space<hbm>>) target(%arg11 : memref<256x64xbf16, #tpu.memory_space<vmem>>) offsets(%dma_start3A_57 : memref<256xi32, #tpu.memory_space<vmem>>) semaphore(%arg16 : memref<!tpu.dma_semaphore, #tpu.memory_space<semaphore_mem>>)
    } else {
    }
    %eq3A_3 = arith.constant 1 : i32
    %eq3A_4 = arith.cmpi eq, %arg0, %eq3A_3 : i32
    %convert_element_type3A_5 = arith.extui %eq3A_4 : i1 to i32
    %cond3A_6 = arith.constant 0 : i32
    %cond3A_7 = arith.cmpi ne, %convert_element_type3A_5, %cond3A_6 : i32
    scf.if %cond3A_7 {
      %dma_start3A = arith.constant 0 : i32
      %dma_start3A_55 = arith.constant 0 : i32
      %dma_start3A_56 = tpu.memref_slice %arg9[%dma_start3A, %dma_start3A_55] : memref<80x256xi32, #tpu.memory_space<vmem>> -> memref<1x256xi32, #tpu.memory_space<vmem>>
      %dma_start3A_57 = tpu.memref_squeeze %dma_start3A_56 : memref<1x256xi32, #tpu.memory_space<vmem>> -> memref<256xi32, #tpu.memory_space<vmem>>
      %dma_start3A_58 = arith.constant 0 : i32
      %dma_start3A_59 = arith.constant 0 : i32
      %dma_start3A_60 = tpu.memref_slice %arg3[%dma_start3A_58, %dma_start3A_59] : memref<10240x64xbf16, #tpu.memory_space<hbm>> -> memref<10240x64xbf16, #tpu.memory_space<hbm>>
      tpu.enqueue_indirect_dma source(%dma_start3A_60 : memref<10240x64xbf16, #tpu.memory_space<hbm>>) target(%arg11 : memref<256x64xbf16, #tpu.memory_space<vmem>>) offsets(%dma_start3A_57 : memref<256xi32, #tpu.memory_space<vmem>>) semaphore(%arg16 : memref<!tpu.dma_semaphore, #tpu.memory_space<semaphore_mem>>)
    } else {
    }
    %eq3A_8 = arith.constant 0 : i32
    %eq3A_9 = arith.cmpi eq, %arg0, %eq3A_8 : i32
    %convert_element_type3A_10 = arith.extui %eq3A_9 : i1 to i32
    %cond3A_11 = arith.constant 0 : i32
    %cond3A_12 = arith.cmpi ne, %convert_element_type3A_10, %cond3A_11 : i32
    scf.if %cond3A_12 {
      %dma_start3A = arith.constant 1 : i32
      %dma_start3A_55 = arith.constant 0 : i32
      %dma_start3A_56 = tpu.memref_slice %arg9[%dma_start3A, %dma_start3A_55] : memref<80x256xi32, #tpu.memory_space<vmem>> -> memref<1x256xi32, #tpu.memory_space<vmem>>
      %dma_start3A_57 = tpu.memref_squeeze %dma_start3A_56 : memref<1x256xi32, #tpu.memory_space<vmem>> -> memref<256xi32, #tpu.memory_space<vmem>>
      %dma_start3A_58 = arith.constant 0 : i32
      %dma_start3A_59 = arith.constant 0 : i32
      %dma_start3A_60 = tpu.memref_slice %arg2[%dma_start3A_58, %dma_start3A_59] : memref<10240x64xbf16, #tpu.memory_space<hbm>> -> memref<10240x64xbf16, #tpu.memory_space<hbm>>
      tpu.enqueue_indirect_dma source(%dma_start3A_60 : memref<10240x64xbf16, #tpu.memory_space<hbm>>) target(%arg12 : memref<256x64xbf16, #tpu.memory_space<vmem>>) offsets(%dma_start3A_57 : memref<256xi32, #tpu.memory_space<vmem>>) semaphore(%arg17 : memref<!tpu.dma_semaphore, #tpu.memory_space<semaphore_mem>>)
    } else {
    }
    %eq3A_13 = arith.constant 1 : i32
    %eq3A_14 = arith.cmpi eq, %arg0, %eq3A_13 : i32
    %convert_element_type3A_15 = arith.extui %eq3A_14 : i1 to i32
    %cond3A_16 = arith.constant 0 : i32
    %cond3A_17 = arith.cmpi ne, %convert_element_type3A_15, %cond3A_16 : i32
    scf.if %cond3A_17 {
      %dma_start3A = arith.constant 1 : i32
      %dma_start3A_55 = arith.constant 0 : i32
      %dma_start3A_56 = tpu.memref_slice %arg9[%dma_start3A, %dma_start3A_55] : memref<80x256xi32, #tpu.memory_space<vmem>> -> memref<1x256xi32, #tpu.memory_space<vmem>>
      %dma_start3A_57 = tpu.memref_squeeze %dma_start3A_56 : memref<1x256xi32, #tpu.memory_space<vmem>> -> memref<256xi32, #tpu.memory_space<vmem>>
      %dma_start3A_58 = arith.constant 0 : i32
      %dma_start3A_59 = arith.constant 0 : i32
      %dma_start3A_60 = tpu.memref_slice %arg3[%dma_start3A_58, %dma_start3A_59] : memref<10240x64xbf16, #tpu.memory_space<hbm>> -> memref<10240x64xbf16, #tpu.memory_space<hbm>>
      tpu.enqueue_indirect_dma source(%dma_start3A_60 : memref<10240x64xbf16, #tpu.memory_space<hbm>>) target(%arg12 : memref<256x64xbf16, #tpu.memory_space<vmem>>) offsets(%dma_start3A_57 : memref<256xi32, #tpu.memory_space<vmem>>) semaphore(%arg17 : memref<!tpu.dma_semaphore, #tpu.memory_space<semaphore_mem>>)
    } else {
    }
    %eq3A_18 = arith.constant 0 : i32
    %eq3A_19 = arith.cmpi eq, %arg0, %eq3A_18 : i32
    %convert_element_type3A_20 = arith.extui %eq3A_19 : i1 to i32
    %cond3A_21 = arith.constant 0 : i32
    %cond3A_22 = arith.cmpi ne, %convert_element_type3A_20, %cond3A_21 : i32
    scf.if %cond3A_22 {
      %dma_start3A = arith.constant 2 : i32
      %dma_start3A_55 = arith.constant 0 : i32
      %dma_start3A_56 = tpu.memref_slice %arg9[%dma_start3A, %dma_start3A_55] : memref<80x256xi32, #tpu.memory_space<vmem>> -> memref<1x256xi32, #tpu.memory_space<vmem>>
      %dma_start3A_57 = tpu.memref_squeeze %dma_start3A_56 : memref<1x256xi32, #tpu.memory_space<vmem>> -> memref<256xi32, #tpu.memory_space<vmem>>
      %dma_start3A_58 = arith.constant 0 : i32
      %dma_start3A_59 = arith.constant 0 : i32
      %dma_start3A_60 = tpu.memref_slice %arg2[%dma_start3A_58, %dma_start3A_59] : memref<10240x64xbf16, #tpu.memory_space<hbm>> -> memref<10240x64xbf16, #tpu.memory_space<hbm>>
      tpu.enqueue_indirect_dma source(%dma_start3A_60 : memref<10240x64xbf16, #tpu.memory_space<hbm>>) target(%arg13 : memref<256x64xbf16, #tpu.memory_space<vmem>>) offsets(%dma_start3A_57 : memref<256xi32, #tpu.memory_space<vmem>>) semaphore(%arg18 : memref<!tpu.dma_semaphore, #tpu.memory_space<semaphore_mem>>)
    } else {
    }
    %eq3A_23 = arith.constant 1 : i32
    %eq3A_24 = arith.cmpi eq, %arg0, %eq3A_23 : i32
    %convert_element_type3A_25 = arith.extui %eq3A_24 : i1 to i32
    %cond3A_26 = arith.constant 0 : i32
    %cond3A_27 = arith.cmpi ne, %convert_element_type3A_25, %cond3A_26 : i32
    scf.if %cond3A_27 {
      %dma_start3A = arith.constant 2 : i32
      %dma_start3A_55 = arith.constant 0 : i32
      %dma_start3A_56 = tpu.memref_slice %arg9[%dma_start3A, %dma_start3A_55] : memref<80x256xi32, #tpu.memory_space<vmem>> -> memref<1x256xi32, #tpu.memory_space<vmem>>
      %dma_start3A_57 = tpu.memref_squeeze %dma_start3A_56 : memref<1x256xi32, #tpu.memory_space<vmem>> -> memref<256xi32, #tpu.memory_space<vmem>>
      %dma_start3A_58 = arith.constant 0 : i32
      %dma_start3A_59 = arith.constant 0 : i32
      %dma_start3A_60 = tpu.memref_slice %arg3[%dma_start3A_58, %dma_start3A_59] : memref<10240x64xbf16, #tpu.memory_space<hbm>> -> memref<10240x64xbf16, #tpu.memory_space<hbm>>
      tpu.enqueue_indirect_dma source(%dma_start3A_60 : memref<10240x64xbf16, #tpu.memory_space<hbm>>) target(%arg13 : memref<256x64xbf16, #tpu.memory_space<vmem>>) offsets(%dma_start3A_57 : memref<256xi32, #tpu.memory_space<vmem>>) semaphore(%arg18 : memref<!tpu.dma_semaphore, #tpu.memory_space<semaphore_mem>>)
    } else {
    }
    %eq3A_28 = arith.constant 0 : i32
    %eq3A_29 = arith.cmpi eq, %arg0, %eq3A_28 : i32
    %convert_element_type3A_30 = arith.extui %eq3A_29 : i1 to i32
    %cond3A_31 = arith.constant 0 : i32
    %cond3A_32 = arith.cmpi ne, %convert_element_type3A_30, %cond3A_31 : i32
    scf.if %cond3A_32 {
      %dma_start3A = arith.constant 3 : i32
      %dma_start3A_55 = arith.constant 0 : i32
      %dma_start3A_56 = tpu.memref_slice %arg9[%dma_start3A, %dma_start3A_55] : memref<80x256xi32, #tpu.memory_space<vmem>> -> memref<1x256xi32, #tpu.memory_space<vmem>>
      %dma_start3A_57 = tpu.memref_squeeze %dma_start3A_56 : memref<1x256xi32, #tpu.memory_space<vmem>> -> memref<256xi32, #tpu.memory_space<vmem>>
      %dma_start3A_58 = arith.constant 0 : i32
      %dma_start3A_59 = arith.constant 0 : i32
      %dma_start3A_60 = tpu.memref_slice %arg2[%dma_start3A_58, %dma_start3A_59] : memref<10240x64xbf16, #tpu.memory_space<hbm>> -> memref<10240x64xbf16, #tpu.memory_space<hbm>>
      tpu.enqueue_indirect_dma source(%dma_start3A_60 : memref<10240x64xbf16, #tpu.memory_space<hbm>>) target(%arg14 : memref<256x64xbf16, #tpu.memory_space<vmem>>) offsets(%dma_start3A_57 : memref<256xi32, #tpu.memory_space<vmem>>) semaphore(%arg19 : memref<!tpu.dma_semaphore, #tpu.memory_space<semaphore_mem>>)
    } else {
    }
    %eq3A_33 = arith.constant 1 : i32
    %eq3A_34 = arith.cmpi eq, %arg0, %eq3A_33 : i32
    %convert_element_type3A_35 = arith.extui %eq3A_34 : i1 to i32
    %cond3A_36 = arith.constant 0 : i32
    %cond3A_37 = arith.cmpi ne, %convert_element_type3A_35, %cond3A_36 : i32
    scf.if %cond3A_37 {
      %dma_start3A = arith.constant 3 : i32
      %dma_start3A_55 = arith.constant 0 : i32
      %dma_start3A_56 = tpu.memref_slice %arg9[%dma_start3A, %dma_start3A_55] : memref<80x256xi32, #tpu.memory_space<vmem>> -> memref<1x256xi32, #tpu.memory_space<vmem>>
      %dma_start3A_57 = tpu.memref_squeeze %dma_start3A_56 : memref<1x256xi32, #tpu.memory_space<vmem>> -> memref<256xi32, #tpu.memory_space<vmem>>
      %dma_start3A_58 = arith.constant 0 : i32
      %dma_start3A_59 = arith.constant 0 : i32
      %dma_start3A_60 = tpu.memref_slice %arg3[%dma_start3A_58, %dma_start3A_59] : memref<10240x64xbf16, #tpu.memory_space<hbm>> -> memref<10240x64xbf16, #tpu.memory_space<hbm>>
      tpu.enqueue_indirect_dma source(%dma_start3A_60 : memref<10240x64xbf16, #tpu.memory_space<hbm>>) target(%arg14 : memref<256x64xbf16, #tpu.memory_space<vmem>>) offsets(%dma_start3A_57 : memref<256xi32, #tpu.memory_space<vmem>>) semaphore(%arg19 : memref<!tpu.dma_semaphore, #tpu.memory_space<semaphore_mem>>)
    } else {
    }
    %scan3A = arith.constant 0 : i32
    %scan3A_38 = arith.constant 0 : i32
    %scan3A_39 = arith.constant 20 : i32
    %scan3A_40 = arith.addi %scan3A_38, %scan3A_39 : i32
    %scan3A_41 = arith.constant 1 : i32
    %scan3A_42 = scf.for %scan3A_55 = %scan3A_38 to %scan3A_40 step %scan3A_41 iter_args(%scan3A_56 = %scan3A) -> (i32)  : i32 {
      %mul3A_57 = arith.constant 4 : i32
      %mul3A_58 = arith.muli %scan3A_55, %mul3A_57 : i32
      %add3A = arith.constant 0 : i32
      %add3A_59 = arith.addi %mul3A_58, %add3A : i32
      %dma_wait3A = arith.constant 0 : i32
      %dma_wait3A_60 = arith.constant 0 : i32
      %dma_wait3A_61 = tpu.memref_slice %arg9[%dma_wait3A, %dma_wait3A_60] : memref<80x256xi32, #tpu.memory_space<vmem>> -> memref<1x256xi32, #tpu.memory_space<vmem>>
      %dma_wait3A_62 = tpu.memref_squeeze %dma_wait3A_61 : memref<1x256xi32, #tpu.memory_space<vmem>> -> memref<256xi32, #tpu.memory_space<vmem>>
      %dma_wait3A_63 = arith.constant 0 : i32
      %dma_wait3A_64 = arith.constant 0 : i32
      %dma_wait3A_65 = tpu.memref_slice %arg2[%dma_wait3A_63, %dma_wait3A_64] : memref<10240x64xbf16, #tpu.memory_space<hbm>> -> memref<10240x64xbf16, #tpu.memory_space<hbm>>
      tpu.wait_indirect_dma semaphore(%arg16 : memref<!tpu.dma_semaphore, #tpu.memory_space<semaphore_mem>>) src(%dma_wait3A_65 : memref<10240x64xbf16, #tpu.memory_space<hbm>>) dst(%arg11 : memref<256x64xbf16, #tpu.memory_space<vmem>>)
      "tpu.region"() ({
        %run_scoped3A = tpu.sem_alloc : memref<!tpu.dma_semaphore, #tpu.memory_space<semaphore_mem>>
        %dma_start3A = arith.constant 0 : i32
        %dma_start3A_127 = tpu.memref_slice %arg10[%add3A_59, %dma_start3A] : memref<80x256xi32, #tpu.memory_space<vmem>> -> memref<1x256xi32, #tpu.memory_space<vmem>>
        %dma_start3A_128 = tpu.memref_squeeze %dma_start3A_127 : memref<1x256xi32, #tpu.memory_space<vmem>> -> memref<256xi32, #tpu.memory_space<vmem>>
        %dma_start3A_129 = arith.constant 0 : i32
        %dma_start3A_130 = arith.constant 0 : i32
        %dma_start3A_131 = tpu.memref_slice %arg15[%dma_start3A_129, %dma_start3A_130] : memref<10240x64xbf16, #tpu.memory_space<vmem_shared>> -> memref<10240x64xbf16, #tpu.memory_space<vmem_shared>>
        tpu.enqueue_indirect_dma source(%arg11 : memref<256x64xbf16, #tpu.memory_space<vmem>>) target(%dma_start3A_131 : memref<10240x64xbf16, #tpu.memory_space<vmem_shared>>) offsets(%dma_start3A_128 : memref<256xi32, #tpu.memory_space<vmem>>) semaphore(%run_scoped3A : memref<!tpu.dma_semaphore, #tpu.memory_space<semaphore_mem>>) {add = true}
        %dma_wait3A_132 = arith.constant 0 : i32
        %dma_wait3A_133 = tpu.memref_slice %arg10[%add3A_59, %dma_wait3A_132] : memref<80x256xi32, #tpu.memory_space<vmem>> -> memref<1x256xi32, #tpu.memory_space<vmem>>
        %dma_wait3A_134 = tpu.memref_squeeze %dma_wait3A_133 : memref<1x256xi32, #tpu.memory_space<vmem>> -> memref<256xi32, #tpu.memory_space<vmem>>
        %dma_wait3A_135 = arith.constant 0 : i32
        %dma_wait3A_136 = arith.constant 0 : i32
        %dma_wait3A_137 = tpu.memref_slice %arg15[%dma_wait3A_135, %dma_wait3A_136] : memref<10240x64xbf16, #tpu.memory_space<vmem_shared>> -> memref<10240x64xbf16, #tpu.memory_space<vmem_shared>>
        tpu.wait_indirect_dma semaphore(%run_scoped3A : memref<!tpu.dma_semaphore, #tpu.memory_space<semaphore_mem>>) src(%arg11 : memref<256x64xbf16, #tpu.memory_space<vmem>>) dst(%dma_wait3A_137 : memref<10240x64xbf16, #tpu.memory_space<vmem_shared>>)
        tpu.yield
      }) : () -> ()
      %add3A_66 = arith.constant 4 : i32
      %add3A_67 = arith.addi %add3A_59, %add3A_66 : i32
      %lt3A = arith.constant 80 : i32
      %lt3A_68 = arith.cmpi slt, %add3A_67, %lt3A : i32
      %convert_element_type3A_69 = arith.extui %lt3A_68 : i1 to i32
      %cond3A_70 = arith.constant 0 : i32
      %cond3A_71 = arith.cmpi ne, %convert_element_type3A_69, %cond3A_70 : i32
      scf.if %cond3A_71 {
        %eq3A_127 = arith.constant 0 : i32
        %eq3A_128 = arith.cmpi eq, %arg0, %eq3A_127 : i32
        %convert_element_type3A_129 = arith.extui %eq3A_128 : i1 to i32
        %cond3A_130 = arith.constant 0 : i32
        %cond3A_131 = arith.cmpi ne, %convert_element_type3A_129, %cond3A_130 : i32
        scf.if %cond3A_131 {
          %dma_start3A = arith.constant 0 : i32
          %dma_start3A_137 = tpu.memref_slice %arg9[%add3A_67, %dma_start3A] : memref<80x256xi32, #tpu.memory_space<vmem>> -> memref<1x256xi32, #tpu.memory_space<vmem>>
          %dma_start3A_138 = tpu.memref_squeeze %dma_start3A_137 : memref<1x256xi32, #tpu.memory_space<vmem>> -> memref<256xi32, #tpu.memory_space<vmem>>
          %dma_start3A_139 = arith.constant 0 : i32
          %dma_start3A_140 = arith.constant 0 : i32
          %dma_start3A_141 = tpu.memref_slice %arg2[%dma_start3A_139, %dma_start3A_140] : memref<10240x64xbf16, #tpu.memory_space<hbm>> -> memref<10240x64xbf16, #tpu.memory_space<hbm>>
          tpu.enqueue_indirect_dma source(%dma_start3A_141 : memref<10240x64xbf16, #tpu.memory_space<hbm>>) target(%arg11 : memref<256x64xbf16, #tpu.memory_space<vmem>>) offsets(%dma_start3A_138 : memref<256xi32, #tpu.memory_space<vmem>>) semaphore(%arg16 : memref<!tpu.dma_semaphore, #tpu.memory_space<semaphore_mem>>)
        } else {
        }
        %eq3A_132 = arith.constant 1 : i32
        %eq3A_133 = arith.cmpi eq, %arg0, %eq3A_132 : i32
        %convert_element_type3A_134 = arith.extui %eq3A_133 : i1 to i32
        %cond3A_135 = arith.constant 0 : i32
        %cond3A_136 = arith.cmpi ne, %convert_element_type3A_134, %cond3A_135 : i32
        scf.if %cond3A_136 {
          %dma_start3A = arith.constant 0 : i32
          %dma_start3A_137 = tpu.memref_slice %arg9[%add3A_67, %dma_start3A] : memref<80x256xi32, #tpu.memory_space<vmem>> -> memref<1x256xi32, #tpu.memory_space<vmem>>
          %dma_start3A_138 = tpu.memref_squeeze %dma_start3A_137 : memref<1x256xi32, #tpu.memory_space<vmem>> -> memref<256xi32, #tpu.memory_space<vmem>>
          %dma_start3A_139 = arith.constant 0 : i32
          %dma_start3A_140 = arith.constant 0 : i32
          %dma_start3A_141 = tpu.memref_slice %arg3[%dma_start3A_139, %dma_start3A_140] : memref<10240x64xbf16, #tpu.memory_space<hbm>> -> memref<10240x64xbf16, #tpu.memory_space<hbm>>
          tpu.enqueue_indirect_dma source(%dma_start3A_141 : memref<10240x64xbf16, #tpu.memory_space<hbm>>) target(%arg11 : memref<256x64xbf16, #tpu.memory_space<vmem>>) offsets(%dma_start3A_138 : memref<256xi32, #tpu.memory_space<vmem>>) semaphore(%arg16 : memref<!tpu.dma_semaphore, #tpu.memory_space<semaphore_mem>>)
        } else {
        }
      } else {
      }
      %mul3A_72 = arith.constant 4 : i32
      %mul3A_73 = arith.muli %scan3A_55, %mul3A_72 : i32
      %add3A_74 = arith.constant 1 : i32
      %add3A_75 = arith.addi %mul3A_73, %add3A_74 : i32
      %dma_wait3A_76 = arith.constant 0 : i32
      %dma_wait3A_77 = arith.constant 0 : i32
      %dma_wait3A_78 = tpu.memref_slice %arg9[%dma_wait3A_76, %dma_wait3A_77] : memref<80x256xi32, #tpu.memory_space<vmem>> -> memref<1x256xi32, #tpu.memory_space<vmem>>
      %dma_wait3A_79 = tpu.memref_squeeze %dma_wait3A_78 : memref<1x256xi32, #tpu.memory_space<vmem>> -> memref<256xi32, #tpu.memory_space<vmem>>
      %dma_wait3A_80 = arith.constant 0 : i32
      %dma_wait3A_81 = arith.constant 0 : i32
      %dma_wait3A_82 = tpu.memref_slice %arg2[%dma_wait3A_80, %dma_wait3A_81] : memref<10240x64xbf16, #tpu.memory_space<hbm>> -> memref<10240x64xbf16, #tpu.memory_space<hbm>>
      tpu.wait_indirect_dma semaphore(%arg17 : memref<!tpu.dma_semaphore, #tpu.memory_space<semaphore_mem>>) src(%dma_wait3A_82 : memref<10240x64xbf16, #tpu.memory_space<hbm>>) dst(%arg12 : memref<256x64xbf16, #tpu.memory_space<vmem>>)
      "tpu.region"() ({
        %run_scoped3A = tpu.sem_alloc : memref<!tpu.dma_semaphore, #tpu.memory_space<semaphore_mem>>
        %dma_start3A = arith.constant 0 : i32
        %dma_start3A_127 = tpu.memref_slice %arg10[%add3A_75, %dma_start3A] : memref<80x256xi32, #tpu.memory_space<vmem>> -> memref<1x256xi32, #tpu.memory_space<vmem>>
        %dma_start3A_128 = tpu.memref_squeeze %dma_start3A_127 : memref<1x256xi32, #tpu.memory_space<vmem>> -> memref<256xi32, #tpu.memory_space<vmem>>
        %dma_start3A_129 = arith.constant 0 : i32
        %dma_start3A_130 = arith.constant 0 : i32
        %dma_start3A_131 = tpu.memref_slice %arg15[%dma_start3A_129, %dma_start3A_130] : memref<10240x64xbf16, #tpu.memory_space<vmem_shared>> -> memref<10240x64xbf16, #tpu.memory_space<vmem_shared>>
        tpu.enqueue_indirect_dma source(%arg12 : memref<256x64xbf16, #tpu.memory_space<vmem>>) target(%dma_start3A_131 : memref<10240x64xbf16, #tpu.memory_space<vmem_shared>>) offsets(%dma_start3A_128 : memref<256xi32, #tpu.memory_space<vmem>>) semaphore(%run_scoped3A : memref<!tpu.dma_semaphore, #tpu.memory_space<semaphore_mem>>) {add = true}
        %dma_wait3A_132 = arith.constant 0 : i32
        %dma_wait3A_133 = tpu.memref_slice %arg10[%add3A_75, %dma_wait3A_132] : memref<80x256xi32, #tpu.memory_space<vmem>> -> memref<1x256xi32, #tpu.memory_space<vmem>>
        %dma_wait3A_134 = tpu.memref_squeeze %dma_wait3A_133 : memref<1x256xi32, #tpu.memory_space<vmem>> -> memref<256xi32, #tpu.memory_space<vmem>>
        %dma_wait3A_135 = arith.constant 0 : i32
        %dma_wait3A_136 = arith.constant 0 : i32
        %dma_wait3A_137 = tpu.memref_slice %arg15[%dma_wait3A_135, %dma_wait3A_136] : memref<10240x64xbf16, #tpu.memory_space<vmem_shared>> -> memref<10240x64xbf16, #tpu.memory_space<vmem_shared>>
        tpu.wait_indirect_dma semaphore(%run_scoped3A : memref<!tpu.dma_semaphore, #tpu.memory_space<semaphore_mem>>) src(%arg12 : memref<256x64xbf16, #tpu.memory_space<vmem>>) dst(%dma_wait3A_137 : memref<10240x64xbf16, #tpu.memory_space<vmem_shared>>)
        tpu.yield
      }) : () -> ()
      %add3A_83 = arith.constant 4 : i32
      %add3A_84 = arith.addi %add3A_75, %add3A_83 : i32
      %lt3A_85 = arith.constant 80 : i32
      %lt3A_86 = arith.cmpi slt, %add3A_84, %lt3A_85 : i32
      %convert_element_type3A_87 = arith.extui %lt3A_86 : i1 to i32
      %cond3A_88 = arith.constant 0 : i32
      %cond3A_89 = arith.cmpi ne, %convert_element_type3A_87, %cond3A_88 : i32
      scf.if %cond3A_89 {
        %eq3A_127 = arith.constant 0 : i32
        %eq3A_128 = arith.cmpi eq, %arg0, %eq3A_127 : i32
        %convert_element_type3A_129 = arith.extui %eq3A_128 : i1 to i32
        %cond3A_130 = arith.constant 0 : i32
        %cond3A_131 = arith.cmpi ne, %convert_element_type3A_129, %cond3A_130 : i32
        scf.if %cond3A_131 {
          %dma_start3A = arith.constant 0 : i32
          %dma_start3A_137 = tpu.memref_slice %arg9[%add3A_84, %dma_start3A] : memref<80x256xi32, #tpu.memory_space<vmem>> -> memref<1x256xi32, #tpu.memory_space<vmem>>
          %dma_start3A_138 = tpu.memref_squeeze %dma_start3A_137 : memref<1x256xi32, #tpu.memory_space<vmem>> -> memref<256xi32, #tpu.memory_space<vmem>>
          %dma_start3A_139 = arith.constant 0 : i32
          %dma_start3A_140 = arith.constant 0 : i32
          %dma_start3A_141 = tpu.memref_slice %arg2[%dma_start3A_139, %dma_start3A_140] : memref<10240x64xbf16, #tpu.memory_space<hbm>> -> memref<10240x64xbf16, #tpu.memory_space<hbm>>
          tpu.enqueue_indirect_dma source(%dma_start3A_141 : memref<10240x64xbf16, #tpu.memory_space<hbm>>) target(%arg12 : memref<256x64xbf16, #tpu.memory_space<vmem>>) offsets(%dma_start3A_138 : memref<256xi32, #tpu.memory_space<vmem>>) semaphore(%arg17 : memref<!tpu.dma_semaphore, #tpu.memory_space<semaphore_mem>>)
        } else {
        }
        %eq3A_132 = arith.constant 1 : i32
        %eq3A_133 = arith.cmpi eq, %arg0, %eq3A_132 : i32
        %convert_element_type3A_134 = arith.extui %eq3A_133 : i1 to i32
        %cond3A_135 = arith.constant 0 : i32
        %cond3A_136 = arith.cmpi ne, %convert_element_type3A_134, %cond3A_135 : i32
        scf.if %cond3A_136 {
          %dma_start3A = arith.constant 0 : i32
          %dma_start3A_137 = tpu.memref_slice %arg9[%add3A_84, %dma_start3A] : memref<80x256xi32, #tpu.memory_space<vmem>> -> memref<1x256xi32, #tpu.memory_space<vmem>>
          %dma_start3A_138 = tpu.memref_squeeze %dma_start3A_137 : memref<1x256xi32, #tpu.memory_space<vmem>> -> memref<256xi32, #tpu.memory_space<vmem>>
          %dma_start3A_139 = arith.constant 0 : i32
          %dma_start3A_140 = arith.constant 0 : i32
          %dma_start3A_141 = tpu.memref_slice %arg3[%dma_start3A_139, %dma_start3A_140] : memref<10240x64xbf16, #tpu.memory_space<hbm>> -> memref<10240x64xbf16, #tpu.memory_space<hbm>>
          tpu.enqueue_indirect_dma source(%dma_start3A_141 : memref<10240x64xbf16, #tpu.memory_space<hbm>>) target(%arg12 : memref<256x64xbf16, #tpu.memory_space<vmem>>) offsets(%dma_start3A_138 : memref<256xi32, #tpu.memory_space<vmem>>) semaphore(%arg17 : memref<!tpu.dma_semaphore, #tpu.memory_space<semaphore_mem>>)
        } else {
        }
      } else {
      }
      %mul3A_90 = arith.constant 4 : i32
      %mul3A_91 = arith.muli %scan3A_55, %mul3A_90 : i32
      %add3A_92 = arith.constant 2 : i32
      %add3A_93 = arith.addi %mul3A_91, %add3A_92 : i32
      %dma_wait3A_94 = arith.constant 0 : i32
      %dma_wait3A_95 = arith.constant 0 : i32
      %dma_wait3A_96 = tpu.memref_slice %arg9[%dma_wait3A_94, %dma_wait3A_95] : memref<80x256xi32, #tpu.memory_space<vmem>> -> memref<1x256xi32, #tpu.memory_space<vmem>>
      %dma_wait3A_97 = tpu.memref_squeeze %dma_wait3A_96 : memref<1x256xi32, #tpu.memory_space<vmem>> -> memref<256xi32, #tpu.memory_space<vmem>>
      %dma_wait3A_98 = arith.constant 0 : i32
      %dma_wait3A_99 = arith.constant 0 : i32
      %dma_wait3A_100 = tpu.memref_slice %arg2[%dma_wait3A_98, %dma_wait3A_99] : memref<10240x64xbf16, #tpu.memory_space<hbm>> -> memref<10240x64xbf16, #tpu.memory_space<hbm>>
      tpu.wait_indirect_dma semaphore(%arg18 : memref<!tpu.dma_semaphore, #tpu.memory_space<semaphore_mem>>) src(%dma_wait3A_100 : memref<10240x64xbf16, #tpu.memory_space<hbm>>) dst(%arg13 : memref<256x64xbf16, #tpu.memory_space<vmem>>)
      "tpu.region"() ({
        %run_scoped3A = tpu.sem_alloc : memref<!tpu.dma_semaphore, #tpu.memory_space<semaphore_mem>>
        %dma_start3A = arith.constant 0 : i32
        %dma_start3A_127 = tpu.memref_slice %arg10[%add3A_93, %dma_start3A] : memref<80x256xi32, #tpu.memory_space<vmem>> -> memref<1x256xi32, #tpu.memory_space<vmem>>
        %dma_start3A_128 = tpu.memref_squeeze %dma_start3A_127 : memref<1x256xi32, #tpu.memory_space<vmem>> -> memref<256xi32, #tpu.memory_space<vmem>>
        %dma_start3A_129 = arith.constant 0 : i32
        %dma_start3A_130 = arith.constant 0 : i32
        %dma_start3A_131 = tpu.memref_slice %arg15[%dma_start3A_129, %dma_start3A_130] : memref<10240x64xbf16, #tpu.memory_space<vmem_shared>> -> memref<10240x64xbf16, #tpu.memory_space<vmem_shared>>
        tpu.enqueue_indirect_dma source(%arg13 : memref<256x64xbf16, #tpu.memory_space<vmem>>) target(%dma_start3A_131 : memref<10240x64xbf16, #tpu.memory_space<vmem_shared>>) offsets(%dma_start3A_128 : memref<256xi32, #tpu.memory_space<vmem>>) semaphore(%run_scoped3A : memref<!tpu.dma_semaphore, #tpu.memory_space<semaphore_mem>>) {add = true}
        %dma_wait3A_132 = arith.constant 0 : i32
        %dma_wait3A_133 = tpu.memref_slice %arg10[%add3A_93, %dma_wait3A_132] : memref<80x256xi32, #tpu.memory_space<vmem>> -> memref<1x256xi32, #tpu.memory_space<vmem>>
        %dma_wait3A_134 = tpu.memref_squeeze %dma_wait3A_133 : memref<1x256xi32, #tpu.memory_space<vmem>> -> memref<256xi32, #tpu.memory_space<vmem>>
        %dma_wait3A_135 = arith.constant 0 : i32
        %dma_wait3A_136 = arith.constant 0 : i32
        %dma_wait3A_137 = tpu.memref_slice %arg15[%dma_wait3A_135, %dma_wait3A_136] : memref<10240x64xbf16, #tpu.memory_space<vmem_shared>> -> memref<10240x64xbf16, #tpu.memory_space<vmem_shared>>
        tpu.wait_indirect_dma semaphore(%run_scoped3A : memref<!tpu.dma_semaphore, #tpu.memory_space<semaphore_mem>>) src(%arg13 : memref<256x64xbf16, #tpu.memory_space<vmem>>) dst(%dma_wait3A_137 : memref<10240x64xbf16, #tpu.memory_space<vmem_shared>>)
        tpu.yield
      }) : () -> ()
      %add3A_101 = arith.constant 4 : i32
      %add3A_102 = arith.addi %add3A_93, %add3A_101 : i32
      %lt3A_103 = arith.constant 80 : i32
      %lt3A_104 = arith.cmpi slt, %add3A_102, %lt3A_103 : i32
      %convert_element_type3A_105 = arith.extui %lt3A_104 : i1 to i32
      %cond3A_106 = arith.constant 0 : i32
      %cond3A_107 = arith.cmpi ne, %convert_element_type3A_105, %cond3A_106 : i32
      scf.if %cond3A_107 {
        %eq3A_127 = arith.constant 0 : i32
        %eq3A_128 = arith.cmpi eq, %arg0, %eq3A_127 : i32
        %convert_element_type3A_129 = arith.extui %eq3A_128 : i1 to i32
        %cond3A_130 = arith.constant 0 : i32
        %cond3A_131 = arith.cmpi ne, %convert_element_type3A_129, %cond3A_130 : i32
        scf.if %cond3A_131 {
          %dma_start3A = arith.constant 0 : i32
          %dma_start3A_137 = tpu.memref_slice %arg9[%add3A_102, %dma_start3A] : memref<80x256xi32, #tpu.memory_space<vmem>> -> memref<1x256xi32, #tpu.memory_space<vmem>>
          %dma_start3A_138 = tpu.memref_squeeze %dma_start3A_137 : memref<1x256xi32, #tpu.memory_space<vmem>> -> memref<256xi32, #tpu.memory_space<vmem>>
          %dma_start3A_139 = arith.constant 0 : i32
          %dma_start3A_140 = arith.constant 0 : i32
          %dma_start3A_141 = tpu.memref_slice %arg2[%dma_start3A_139, %dma_start3A_140] : memref<10240x64xbf16, #tpu.memory_space<hbm>> -> memref<10240x64xbf16, #tpu.memory_space<hbm>>
          tpu.enqueue_indirect_dma source(%dma_start3A_141 : memref<10240x64xbf16, #tpu.memory_space<hbm>>) target(%arg13 : memref<256x64xbf16, #tpu.memory_space<vmem>>) offsets(%dma_start3A_138 : memref<256xi32, #tpu.memory_space<vmem>>) semaphore(%arg18 : memref<!tpu.dma_semaphore, #tpu.memory_space<semaphore_mem>>)
        } else {
        }
        %eq3A_132 = arith.constant 1 : i32
        %eq3A_133 = arith.cmpi eq, %arg0, %eq3A_132 : i32
        %convert_element_type3A_134 = arith.extui %eq3A_133 : i1 to i32
        %cond3A_135 = arith.constant 0 : i32
        %cond3A_136 = arith.cmpi ne, %convert_element_type3A_134, %cond3A_135 : i32
        scf.if %cond3A_136 {
          %dma_start3A = arith.constant 0 : i32
          %dma_start3A_137 = tpu.memref_slice %arg9[%add3A_102, %dma_start3A] : memref<80x256xi32, #tpu.memory_space<vmem>> -> memref<1x256xi32, #tpu.memory_space<vmem>>
          %dma_start3A_138 = tpu.memref_squeeze %dma_start3A_137 : memref<1x256xi32, #tpu.memory_space<vmem>> -> memref<256xi32, #tpu.memory_space<vmem>>
          %dma_start3A_139 = arith.constant 0 : i32
          %dma_start3A_140 = arith.constant 0 : i32
          %dma_start3A_141 = tpu.memref_slice %arg3[%dma_start3A_139, %dma_start3A_140] : memref<10240x64xbf16, #tpu.memory_space<hbm>> -> memref<10240x64xbf16, #tpu.memory_space<hbm>>
          tpu.enqueue_indirect_dma source(%dma_start3A_141 : memref<10240x64xbf16, #tpu.memory_space<hbm>>) target(%arg13 : memref<256x64xbf16, #tpu.memory_space<vmem>>) offsets(%dma_start3A_138 : memref<256xi32, #tpu.memory_space<vmem>>) semaphore(%arg18 : memref<!tpu.dma_semaphore, #tpu.memory_space<semaphore_mem>>)
        } else {
        }
      } else {
      }
      %mul3A_108 = arith.constant 4 : i32
      %mul3A_109 = arith.muli %scan3A_55, %mul3A_108 : i32
      %add3A_110 = arith.constant 3 : i32
      %add3A_111 = arith.addi %mul3A_109, %add3A_110 : i32
      %dma_wait3A_112 = arith.constant 0 : i32
      %dma_wait3A_113 = arith.constant 0 : i32
      %dma_wait3A_114 = tpu.memref_slice %arg9[%dma_wait3A_112, %dma_wait3A_113] : memref<80x256xi32, #tpu.memory_space<vmem>> -> memref<1x256xi32, #tpu.memory_space<vmem>>
      %dma_wait3A_115 = tpu.memref_squeeze %dma_wait3A_114 : memref<1x256xi32, #tpu.memory_space<vmem>> -> memref<256xi32, #tpu.memory_space<vmem>>
      %dma_wait3A_116 = arith.constant 0 : i32
      %dma_wait3A_117 = arith.constant 0 : i32
      %dma_wait3A_118 = tpu.memref_slice %arg2[%dma_wait3A_116, %dma_wait3A_117] : memref<10240x64xbf16, #tpu.memory_space<hbm>> -> memref<10240x64xbf16, #tpu.memory_space<hbm>>
      tpu.wait_indirect_dma semaphore(%arg19 : memref<!tpu.dma_semaphore, #tpu.memory_space<semaphore_mem>>) src(%dma_wait3A_118 : memref<10240x64xbf16, #tpu.memory_space<hbm>>) dst(%arg14 : memref<256x64xbf16, #tpu.memory_space<vmem>>)
      "tpu.region"() ({
        %run_scoped3A = tpu.sem_alloc : memref<!tpu.dma_semaphore, #tpu.memory_space<semaphore_mem>>
        %dma_start3A = arith.constant 0 : i32
        %dma_start3A_127 = tpu.memref_slice %arg10[%add3A_111, %dma_start3A] : memref<80x256xi32, #tpu.memory_space<vmem>> -> memref<1x256xi32, #tpu.memory_space<vmem>>
        %dma_start3A_128 = tpu.memref_squeeze %dma_start3A_127 : memref<1x256xi32, #tpu.memory_space<vmem>> -> memref<256xi32, #tpu.memory_space<vmem>>
        %dma_start3A_129 = arith.constant 0 : i32
        %dma_start3A_130 = arith.constant 0 : i32
        %dma_start3A_131 = tpu.memref_slice %arg15[%dma_start3A_129, %dma_start3A_130] : memref<10240x64xbf16, #tpu.memory_space<vmem_shared>> -> memref<10240x64xbf16, #tpu.memory_space<vmem_shared>>
        tpu.enqueue_indirect_dma source(%arg14 : memref<256x64xbf16, #tpu.memory_space<vmem>>) target(%dma_start3A_131 : memref<10240x64xbf16, #tpu.memory_space<vmem_shared>>) offsets(%dma_start3A_128 : memref<256xi32, #tpu.memory_space<vmem>>) semaphore(%run_scoped3A : memref<!tpu.dma_semaphore, #tpu.memory_space<semaphore_mem>>) {add = true}
        %dma_wait3A_132 = arith.constant 0 : i32
        %dma_wait3A_133 = tpu.memref_slice %arg10[%add3A_111, %dma_wait3A_132] : memref<80x256xi32, #tpu.memory_space<vmem>> -> memref<1x256xi32, #tpu.memory_space<vmem>>
        %dma_wait3A_134 = tpu.memref_squeeze %dma_wait3A_133 : memref<1x256xi32, #tpu.memory_space<vmem>> -> memref<256xi32, #tpu.memory_space<vmem>>
        %dma_wait3A_135 = arith.constant 0 : i32
        %dma_wait3A_136 = arith.constant 0 : i32
        %dma_wait3A_137 = tpu.memref_slice %arg15[%dma_wait3A_135, %dma_wait3A_136] : memref<10240x64xbf16, #tpu.memory_space<vmem_shared>> -> memref<10240x64xbf16, #tpu.memory_space<vmem_shared>>
        tpu.wait_indirect_dma semaphore(%run_scoped3A : memref<!tpu.dma_semaphore, #tpu.memory_space<semaphore_mem>>) src(%arg14 : memref<256x64xbf16, #tpu.memory_space<vmem>>) dst(%dma_wait3A_137 : memref<10240x64xbf16, #tpu.memory_space<vmem_shared>>)
        tpu.yield
      }) : () -> ()
      %add3A_119 = arith.constant 4 : i32
      %add3A_120 = arith.addi %add3A_111, %add3A_119 : i32
      %lt3A_121 = arith.constant 80 : i32
      %lt3A_122 = arith.cmpi slt, %add3A_120, %lt3A_121 : i32
      %convert_element_type3A_123 = arith.extui %lt3A_122 : i1 to i32
      %cond3A_124 = arith.constant 0 : i32
      %cond3A_125 = arith.cmpi ne, %convert_element_type3A_123, %cond3A_124 : i32
      scf.if %cond3A_125 {
        %eq3A_127 = arith.constant 0 : i32
        %eq3A_128 = arith.cmpi eq, %arg0, %eq3A_127 : i32
        %convert_element_type3A_129 = arith.extui %eq3A_128 : i1 to i32
        %cond3A_130 = arith.constant 0 : i32
        %cond3A_131 = arith.cmpi ne, %convert_element_type3A_129, %cond3A_130 : i32
        scf.if %cond3A_131 {
          %dma_start3A = arith.constant 0 : i32
          %dma_start3A_137 = tpu.memref_slice %arg9[%add3A_120, %dma_start3A] : memref<80x256xi32, #tpu.memory_space<vmem>> -> memref<1x256xi32, #tpu.memory_space<vmem>>
          %dma_start3A_138 = tpu.memref_squeeze %dma_start3A_137 : memref<1x256xi32, #tpu.memory_space<vmem>> -> memref<256xi32, #tpu.memory_space<vmem>>
          %dma_start3A_139 = arith.constant 0 : i32
          %dma_start3A_140 = arith.constant 0 : i32
          %dma_start3A_141 = tpu.memref_slice %arg2[%dma_start3A_139, %dma_start3A_140] : memref<10240x64xbf16, #tpu.memory_space<hbm>> -> memref<10240x64xbf16, #tpu.memory_space<hbm>>
          tpu.enqueue_indirect_dma source(%dma_start3A_141 : memref<10240x64xbf16, #tpu.memory_space<hbm>>) target(%arg14 : memref<256x64xbf16, #tpu.memory_space<vmem>>) offsets(%dma_start3A_138 : memref<256xi32, #tpu.memory_space<vmem>>) semaphore(%arg19 : memref<!tpu.dma_semaphore, #tpu.memory_space<semaphore_mem>>)
        } else {
        }
        %eq3A_132 = arith.constant 1 : i32
        %eq3A_133 = arith.cmpi eq, %arg0, %eq3A_132 : i32
        %convert_element_type3A_134 = arith.extui %eq3A_133 : i1 to i32
        %cond3A_135 = arith.constant 0 : i32
        %cond3A_136 = arith.cmpi ne, %convert_element_type3A_134, %cond3A_135 : i32
        scf.if %cond3A_136 {
          %dma_start3A = arith.constant 0 : i32
          %dma_start3A_137 = tpu.memref_slice %arg9[%add3A_120, %dma_start3A] : memref<80x256xi32, #tpu.memory_space<vmem>> -> memref<1x256xi32, #tpu.memory_space<vmem>>
          %dma_start3A_138 = tpu.memref_squeeze %dma_start3A_137 : memref<1x256xi32, #tpu.memory_space<vmem>> -> memref<256xi32, #tpu.memory_space<vmem>>
          %dma_start3A_139 = arith.constant 0 : i32
          %dma_start3A_140 = arith.constant 0 : i32
          %dma_start3A_141 = tpu.memref_slice %arg3[%dma_start3A_139, %dma_start3A_140] : memref<10240x64xbf16, #tpu.memory_space<hbm>> -> memref<10240x64xbf16, #tpu.memory_space<hbm>>
          tpu.enqueue_indirect_dma source(%dma_start3A_141 : memref<10240x64xbf16, #tpu.memory_space<hbm>>) target(%arg14 : memref<256x64xbf16, #tpu.memory_space<vmem>>) offsets(%dma_start3A_138 : memref<256xi32, #tpu.memory_space<vmem>>) semaphore(%arg19 : memref<!tpu.dma_semaphore, #tpu.memory_space<semaphore_mem>>)
        } else {
        }
      } else {
      }
      %scan3A_126 = arith.constant 0 : i32
      scf.yield %scan3A_126 : i32
    }
    %scan3A_43 = arith.constant 20 : i32
    %barrier3A_44 = arith.constant 0 : index
    tpu.barrier barrier_id(%barrier3A_44)
    %eq3A_45 = arith.constant 0 : i32
    %eq3A_46 = arith.cmpi eq, %arg0, %eq3A_45 : i32
    %convert_element_type3A_47 = arith.extui %eq3A_46 : i1 to i32
    %cond3A_48 = arith.constant 0 : i32
    %cond3A_49 = arith.cmpi ne, %convert_element_type3A_47, %cond3A_48 : i32
    scf.if %cond3A_49 {
      %mul3A_55 = arith.constant 640 : i32
      %mul3A_56 = arith.muli %arg1, %mul3A_55 : i32
      %mul3A_57 = arith.constant 640 : i32
      %mul3A_58 = arith.muli %arg1, %mul3A_57 : i32
      "tpu.region"() ({
        %run_scoped3A = tpu.sem_alloc : memref<!tpu.dma_semaphore, #tpu.memory_space<semaphore_mem>>
        %dma_start3A = arith.constant 0 : i32
        %dma_start3A_59 = tpu.memref_slice %arg7[%mul3A_58, %dma_start3A] : memref<10240x64xbf16, #tpu.memory_space<hbm>> -> memref<640x64xbf16, #tpu.memory_space<hbm>>
        %dma_start3A_60 = arith.constant 0 : i32
        %dma_start3A_61 = tpu.memref_slice %arg15[%mul3A_56, %dma_start3A_60] : memref<10240x64xbf16, #tpu.memory_space<vmem_shared>> -> memref<640x64xbf16, #tpu.memory_space<vmem_shared>>
        tpu.enqueue_dma source(%dma_start3A_61 : memref<640x64xbf16, #tpu.memory_space<vmem_shared>>) target(%dma_start3A_59 : memref<640x64xbf16, #tpu.memory_space<hbm>>) target_semaphore(%run_scoped3A : memref<!tpu.dma_semaphore, #tpu.memory_space<semaphore_mem>>)
        %dma_wait3A = arith.constant 0 : i32
        %dma_wait3A_62 = tpu.memref_slice %arg7[%mul3A_58, %dma_wait3A] : memref<10240x64xbf16, #tpu.memory_space<hbm>> -> memref<640x64xbf16, #tpu.memory_space<hbm>>
        %dma_wait3A_63 = arith.constant 0 : i32
        %dma_wait3A_64 = tpu.memref_slice %arg15[%mul3A_56, %dma_wait3A_63] : memref<10240x64xbf16, #tpu.memory_space<vmem_shared>> -> memref<640x64xbf16, #tpu.memory_space<vmem_shared>>
        tpu.wait_dma2 semaphore(%run_scoped3A : memref<!tpu.dma_semaphore, #tpu.memory_space<semaphore_mem>>) src(%dma_wait3A_64 : memref<640x64xbf16, #tpu.memory_space<vmem_shared>>) dst(%dma_wait3A_62 : memref<640x64xbf16, #tpu.memory_space<hbm>>)
        tpu.yield
      }) : () -> ()
    } else {
    }
    %eq3A_50 = arith.constant 1 : i32
    %eq3A_51 = arith.cmpi eq, %arg0, %eq3A_50 : i32
    %convert_element_type3A_52 = arith.extui %eq3A_51 : i1 to i32
    %cond3A_53 = arith.constant 0 : i32
    %cond3A_54 = arith.cmpi ne, %convert_element_type3A_52, %cond3A_53 : i32
    scf.if %cond3A_54 {
      %mul3A_55 = arith.constant 640 : i32
      %mul3A_56 = arith.muli %arg1, %mul3A_55 : i32
      %mul3A_57 = arith.constant 640 : i32
      %mul3A_58 = arith.muli %arg1, %mul3A_57 : i32
      "tpu.region"() ({
        %run_scoped3A = tpu.sem_alloc : memref<!tpu.dma_semaphore, #tpu.memory_space<semaphore_mem>>
        %dma_start3A = arith.constant 0 : i32
        %dma_start3A_59 = tpu.memref_slice %arg8[%mul3A_58, %dma_start3A] : memref<10240x64xbf16, #tpu.memory_space<hbm>> -> memref<640x64xbf16, #tpu.memory_space<hbm>>
        %dma_start3A_60 = arith.constant 0 : i32
        %dma_start3A_61 = tpu.memref_slice %arg15[%mul3A_56, %dma_start3A_60] : memref<10240x64xbf16, #tpu.memory_space<vmem_shared>> -> memref<640x64xbf16, #tpu.memory_space<vmem_shared>>
        tpu.enqueue_dma source(%dma_start3A_61 : memref<640x64xbf16, #tpu.memory_space<vmem_shared>>) target(%dma_start3A_59 : memref<640x64xbf16, #tpu.memory_space<hbm>>) target_semaphore(%run_scoped3A : memref<!tpu.dma_semaphore, #tpu.memory_space<semaphore_mem>>)
        %dma_wait3A = arith.constant 0 : i32
        %dma_wait3A_62 = tpu.memref_slice %arg8[%mul3A_58, %dma_wait3A] : memref<10240x64xbf16, #tpu.memory_space<hbm>> -> memref<640x64xbf16, #tpu.memory_space<hbm>>
        %dma_wait3A_63 = arith.constant 0 : i32
        %dma_wait3A_64 = tpu.memref_slice %arg15[%mul3A_56, %dma_wait3A_63] : memref<10240x64xbf16, #tpu.memory_space<vmem_shared>> -> memref<640x64xbf16, #tpu.memory_space<vmem_shared>>
        tpu.wait_dma2 semaphore(%run_scoped3A : memref<!tpu.dma_semaphore, #tpu.memory_space<semaphore_mem>>) src(%dma_wait3A_64 : memref<640x64xbf16, #tpu.memory_space<vmem_shared>>) dst(%dma_wait3A_62 : memref<640x64xbf16, #tpu.memory_space<hbm>>)
        tpu.yield
      }) : () -> ()
    } else {
    }
    return
  }
}

#map = affine_map<(d0, d1) -> (0)>
#map1 = affine_map<(d0, d1) -> (0, 0, 0)>
module attributes {stable_mosaic.version = 14 : i64} {
  func.func @_hist_kernel(%arg0: i32, %arg1: i32, %arg2: memref<320000xi32, #tpu.memory_space<hbm>>, %arg3: memref<320000xi32, #tpu.memory_space<hbm>>, %arg4: memref<10240xf32, #tpu.memory_space<hbm>>, %arg5: memref<32x2x10240xf32, #tpu.memory_space<hbm>>, %arg6: memref<10000xi32, #tpu.memory_space<vmem>>, %arg7: memref<10240xf32, #tpu.memory_space<vmem>>) attributes {dimension_semantics = [#tpu.dimension_semantics<core_parallel>, #tpu.dimension_semantics<subcore_parallel>], iteration_bounds = array<i64: 2, 16>, scalar_prefetch = 0 : i64, scratch_operands = 2 : i64, tpu.core_type = #tpu.core_type<sc_vector_subcore>, window_params = [{transform_indices = #map}, {transform_indices = #map}, {transform_indices = #map}, {transform_indices = #map1}]} {
    %mul3A = arith.constant 16 : i32
    %mul3A_0 = arith.muli %arg0, %mul3A : i32
    %add3A = arith.addi %mul3A_0, %arg1 : i32
    %mul3A_1 = arith.constant 10000 : i32
    %mul3A_2 = arith.muli %add3A, %mul3A_1 : i32
    %broadcast_in_dim3A = arith.constant 1.000000e+00 : f32
    %broadcast_in_dim3A_3 = vector.broadcast %broadcast_in_dim3A : f32 to vector<16xf32>
    "tpu.region"() ({
      %run_scoped3A_18 = tpu.sem_alloc : memref<!tpu.dma_semaphore, #tpu.memory_space<semaphore_mem>>
      tpu.enqueue_dma source(%arg4 : memref<10240xf32, #tpu.memory_space<hbm>>) target(%arg7 : memref<10240xf32, #tpu.memory_space<vmem>>) target_semaphore(%run_scoped3A_18 : memref<!tpu.dma_semaphore, #tpu.memory_space<semaphore_mem>>)
      tpu.wait_dma2 semaphore(%run_scoped3A_18 : memref<!tpu.dma_semaphore, #tpu.memory_space<semaphore_mem>>) src(%arg4 : memref<10240xf32, #tpu.memory_space<hbm>>) dst(%arg7 : memref<10240xf32, #tpu.memory_space<vmem>>)
      tpu.yield
    }) : () -> ()
    "tpu.region"() ({
      %run_scoped3A_18 = tpu.sem_alloc : memref<!tpu.dma_semaphore, #tpu.memory_space<semaphore_mem>>
      %dma_start3A = tpu.memref_slice %arg2[%mul3A_2] : memref<320000xi32, #tpu.memory_space<hbm>> -> memref<10000xi32, #tpu.memory_space<hbm>>
      %dma_start3A_19 = tpu.memref_slice %arg2[%mul3A_2] : memref<320000xi32, #tpu.memory_space<hbm>> -> memref<10000xi32, #tpu.memory_space<hbm>>
      tpu.enqueue_dma source(%dma_start3A_19 : memref<10000xi32, #tpu.memory_space<hbm>>) target(%arg6 : memref<10000xi32, #tpu.memory_space<vmem>>) target_semaphore(%run_scoped3A_18 : memref<!tpu.dma_semaphore, #tpu.memory_space<semaphore_mem>>)
      %dma_wait3A = tpu.memref_slice %arg2[%mul3A_2] : memref<320000xi32, #tpu.memory_space<hbm>> -> memref<10000xi32, #tpu.memory_space<hbm>>
      %dma_wait3A_20 = tpu.memref_slice %arg2[%mul3A_2] : memref<320000xi32, #tpu.memory_space<hbm>> -> memref<10000xi32, #tpu.memory_space<hbm>>
      tpu.wait_dma2 semaphore(%run_scoped3A_18 : memref<!tpu.dma_semaphore, #tpu.memory_space<semaphore_mem>>) src(%dma_wait3A_20 : memref<10000xi32, #tpu.memory_space<hbm>>) dst(%arg6 : memref<10000xi32, #tpu.memory_space<vmem>>)
      tpu.yield
    }) : () -> ()
    %scan3A = arith.constant 0 : i32
    %scan3A_4 = arith.constant 0 : i32
    %scan3A_5 = arith.constant 625 : i32
    %scan3A_6 = arith.addi %scan3A_4, %scan3A_5 : i32
    %scan3A_7 = arith.constant 1 : i32
    %scan3A_8 = scf.for %scan3A_18 = %scan3A_4 to %scan3A_6 step %scan3A_7 iter_args(%scan3A_19 = %scan3A) -> (i32)  : i32 {
      %mul3A_20 = arith.constant 16 : i32
      %mul3A_21 = arith.muli %scan3A_18, %mul3A_20 : i32
      %get3A = arith.index_cast %mul3A_21 : i32 to index
      %get3A_22 = tpu.vector_load %arg6[%get3A] {strides = array<i32>} : memref<10000xi32, #tpu.memory_space<vmem>>, vector<16xi32>,
      tpu.vector_store_idx %arg7[%get3A_22], %broadcast_in_dim3A_3 {add = true} : memref<10240xf32, #tpu.memory_space<vmem>>[vector<16xi32>], vector<16xf32>,
      %scan3A_23 = arith.constant 0 : i32
      scf.yield %scan3A_23 : i32
    }
    %scan3A_9 = arith.constant 625 : i32
    %run_scoped3A = arith.constant 0 : i32
    "tpu.region"() ({
      %run_scoped3A_18 = tpu.sem_alloc : memref<!tpu.dma_semaphore, #tpu.memory_space<semaphore_mem>>
      %dma_start3A = arith.constant 0 : i32
      %dma_start3A_19 = tpu.memref_slice %arg5[%add3A, %run_scoped3A, %dma_start3A] : memref<32x2x10240xf32, #tpu.memory_space<hbm>> -> memref<1x1x10240xf32, #tpu.memory_space<hbm>>
      %dma_start3A_20 = tpu.memref_squeeze %dma_start3A_19 : memref<1x1x10240xf32, #tpu.memory_space<hbm>> -> memref<10240xf32, #tpu.memory_space<hbm>>
      %dma_start3A_21 = arith.constant 0 : i32
      %dma_start3A_22 = tpu.memref_slice %arg5[%add3A, %run_scoped3A, %dma_start3A_21] : memref<32x2x10240xf32, #tpu.memory_space<hbm>> -> memref<1x1x10240xf32, #tpu.memory_space<hbm>>
      %dma_start3A_23 = tpu.memref_squeeze %dma_start3A_22 : memref<1x1x10240xf32, #tpu.memory_space<hbm>> -> memref<10240xf32, #tpu.memory_space<hbm>>
      tpu.enqueue_dma source(%arg7 : memref<10240xf32, #tpu.memory_space<vmem>>) target(%dma_start3A_23 : memref<10240xf32, #tpu.memory_space<hbm>>) target_semaphore(%run_scoped3A_18 : memref<!tpu.dma_semaphore, #tpu.memory_space<semaphore_mem>>)
      %dma_wait3A = arith.constant 0 : i32
      %dma_wait3A_24 = tpu.memref_slice %arg5[%add3A, %run_scoped3A, %dma_wait3A] : memref<32x2x10240xf32, #tpu.memory_space<hbm>> -> memref<1x1x10240xf32, #tpu.memory_space<hbm>>
      %dma_wait3A_25 = tpu.memref_squeeze %dma_wait3A_24 : memref<1x1x10240xf32, #tpu.memory_space<hbm>> -> memref<10240xf32, #tpu.memory_space<hbm>>
      %dma_wait3A_26 = arith.constant 0 : i32
      %dma_wait3A_27 = tpu.memref_slice %arg5[%add3A, %run_scoped3A, %dma_wait3A_26] : memref<32x2x10240xf32, #tpu.memory_space<hbm>> -> memref<1x1x10240xf32, #tpu.memory_space<hbm>>
      %dma_wait3A_28 = tpu.memref_squeeze %dma_wait3A_27 : memref<1x1x10240xf32, #tpu.memory_space<hbm>> -> memref<10240xf32, #tpu.memory_space<hbm>>
      tpu.wait_dma2 semaphore(%run_scoped3A_18 : memref<!tpu.dma_semaphore, #tpu.memory_space<semaphore_mem>>) src(%arg7 : memref<10240xf32, #tpu.memory_space<vmem>>) dst(%dma_wait3A_28 : memref<10240xf32, #tpu.memory_space<hbm>>)
      tpu.yield
    }) : () -> ()
    "tpu.region"() ({
      %run_scoped3A_18 = tpu.sem_alloc : memref<!tpu.dma_semaphore, #tpu.memory_space<semaphore_mem>>
      tpu.enqueue_dma source(%arg4 : memref<10240xf32, #tpu.memory_space<hbm>>) target(%arg7 : memref<10240xf32, #tpu.memory_space<vmem>>) target_semaphore(%run_scoped3A_18 : memref<!tpu.dma_semaphore, #tpu.memory_space<semaphore_mem>>)
      tpu.wait_dma2 semaphore(%run_scoped3A_18 : memref<!tpu.dma_semaphore, #tpu.memory_space<semaphore_mem>>) src(%arg4 : memref<10240xf32, #tpu.memory_space<hbm>>) dst(%arg7 : memref<10240xf32, #tpu.memory_space<vmem>>)
      tpu.yield
    }) : () -> ()
    "tpu.region"() ({
      %run_scoped3A_18 = tpu.sem_alloc : memref<!tpu.dma_semaphore, #tpu.memory_space<semaphore_mem>>
      %dma_start3A = tpu.memref_slice %arg3[%mul3A_2] : memref<320000xi32, #tpu.memory_space<hbm>> -> memref<10000xi32, #tpu.memory_space<hbm>>
      %dma_start3A_19 = tpu.memref_slice %arg3[%mul3A_2] : memref<320000xi32, #tpu.memory_space<hbm>> -> memref<10000xi32, #tpu.memory_space<hbm>>
      tpu.enqueue_dma source(%dma_start3A_19 : memref<10000xi32, #tpu.memory_space<hbm>>) target(%arg6 : memref<10000xi32, #tpu.memory_space<vmem>>) target_semaphore(%run_scoped3A_18 : memref<!tpu.dma_semaphore, #tpu.memory_space<semaphore_mem>>)
      %dma_wait3A = tpu.memref_slice %arg3[%mul3A_2] : memref<320000xi32, #tpu.memory_space<hbm>> -> memref<10000xi32, #tpu.memory_space<hbm>>
      %dma_wait3A_20 = tpu.memref_slice %arg3[%mul3A_2] : memref<320000xi32, #tpu.memory_space<hbm>> -> memref<10000xi32, #tpu.memory_space<hbm>>
      tpu.wait_dma2 semaphore(%run_scoped3A_18 : memref<!tpu.dma_semaphore, #tpu.memory_space<semaphore_mem>>) src(%dma_wait3A_20 : memref<10000xi32, #tpu.memory_space<hbm>>) dst(%arg6 : memref<10000xi32, #tpu.memory_space<vmem>>)
      tpu.yield
    }) : () -> ()
    %scan3A_10 = arith.constant 0 : i32
    %scan3A_11 = arith.constant 0 : i32
    %scan3A_12 = arith.constant 625 : i32
    %scan3A_13 = arith.addi %scan3A_11, %scan3A_12 : i32
    %scan3A_14 = arith.constant 1 : i32
    %scan3A_15 = scf.for %scan3A_18 = %scan3A_11 to %scan3A_13 step %scan3A_14 iter_args(%scan3A_19 = %scan3A_10) -> (i32)  : i32 {
      %mul3A_20 = arith.constant 16 : i32
      %mul3A_21 = arith.muli %scan3A_18, %mul3A_20 : i32
      %get3A = arith.index_cast %mul3A_21 : i32 to index
      %get3A_22 = tpu.vector_load %arg6[%get3A] {strides = array<i32>} : memref<10000xi32, #tpu.memory_space<vmem>>, vector<16xi32>,
      tpu.vector_store_idx %arg7[%get3A_22], %broadcast_in_dim3A_3 {add = true} : memref<10240xf32, #tpu.memory_space<vmem>>[vector<16xi32>], vector<16xf32>,
      %scan3A_23 = arith.constant 0 : i32
      scf.yield %scan3A_23 : i32
    }
    %scan3A_16 = arith.constant 625 : i32
    %run_scoped3A_17 = arith.constant 1 : i32
    "tpu.region"() ({
      %run_scoped3A_18 = tpu.sem_alloc : memref<!tpu.dma_semaphore, #tpu.memory_space<semaphore_mem>>
      %dma_start3A = arith.constant 0 : i32
      %dma_start3A_19 = tpu.memref_slice %arg5[%add3A, %run_scoped3A_17, %dma_start3A] : memref<32x2x10240xf32, #tpu.memory_space<hbm>> -> memref<1x1x10240xf32, #tpu.memory_space<hbm>>
      %dma_start3A_20 = tpu.memref_squeeze %dma_start3A_19 : memref<1x1x10240xf32, #tpu.memory_space<hbm>> -> memref<10240xf32, #tpu.memory_space<hbm>>
      %dma_start3A_21 = arith.constant 0 : i32
      %dma_start3A_22 = tpu.memref_slice %arg5[%add3A, %run_scoped3A_17, %dma_start3A_21] : memref<32x2x10240xf32, #tpu.memory_space<hbm>> -> memref<1x1x10240xf32, #tpu.memory_space<hbm>>
      %dma_start3A_23 = tpu.memref_squeeze %dma_start3A_22 : memref<1x1x10240xf32, #tpu.memory_space<hbm>> -> memref<10240xf32, #tpu.memory_space<hbm>>
      tpu.enqueue_dma source(%arg7 : memref<10240xf32, #tpu.memory_space<vmem>>) target(%dma_start3A_23 : memref<10240xf32, #tpu.memory_space<hbm>>) target_semaphore(%run_scoped3A_18 : memref<!tpu.dma_semaphore, #tpu.memory_space<semaphore_mem>>)
      %dma_wait3A = arith.constant 0 : i32
      %dma_wait3A_24 = tpu.memref_slice %arg5[%add3A, %run_scoped3A_17, %dma_wait3A] : memref<32x2x10240xf32, #tpu.memory_space<hbm>> -> memref<1x1x10240xf32, #tpu.memory_space<hbm>>
      %dma_wait3A_25 = tpu.memref_squeeze %dma_wait3A_24 : memref<1x1x10240xf32, #tpu.memory_space<hbm>> -> memref<10240xf32, #tpu.memory_space<hbm>>
      %dma_wait3A_26 = arith.constant 0 : i32
      %dma_wait3A_27 = tpu.memref_slice %arg5[%add3A, %run_scoped3A_17, %dma_wait3A_26] : memref<32x2x10240xf32, #tpu.memory_space<hbm>> -> memref<1x1x10240xf32, #tpu.memory_space<hbm>>
      %dma_wait3A_28 = tpu.memref_squeeze %dma_wait3A_27 : memref<1x1x10240xf32, #tpu.memory_space<hbm>> -> memref<10240xf32, #tpu.memory_space<hbm>>
      tpu.wait_dma2 semaphore(%run_scoped3A_18 : memref<!tpu.dma_semaphore, #tpu.memory_space<semaphore_mem>>) src(%arg7 : memref<10240xf32, #tpu.memory_space<vmem>>) dst(%dma_wait3A_28 : memref<10240xf32, #tpu.memory_space<hbm>>)
      tpu.yield
    }) : () -> ()
    return
  }
}

#map = affine_map<(d0, d1) -> (0, 0)>
#map1 = affine_map<(d0, d1) -> (0, 0, 0)>
module attributes {stable_mosaic.version = 14 : i64} {
  func.func @_seg_kernel(%arg0: i32, %arg1: i32, %arg2: memref<10240x64xbf16, #tpu.memory_space<hbm>>, %arg3: memref<10240x64xbf16, #tpu.memory_space<hbm>>, %arg4: memref<16x80x256xi32, #tpu.memory_space<hbm>>, %arg5: memref<16x80x256xi32, #tpu.memory_space<hbm>>, %arg6: memref<640x64xbf16, #tpu.memory_space<hbm>>, %arg7: memref<10240x64xbf16, #tpu.memory_space<hbm>>, %arg8: memref<10240x64xbf16, #tpu.memory_space<hbm>>, %arg9: memref<80x256xi32, #tpu.memory_space<vmem>>, %arg10: memref<80x256xi32, #tpu.memory_space<vmem>>, %arg11: memref<256x64xbf16, #tpu.memory_space<vmem>>, %arg12: memref<256x64xbf16, #tpu.memory_space<vmem>>, %arg13: memref<256x64xbf16, #tpu.memory_space<vmem>>, %arg14: memref<256x64xbf16, #tpu.memory_space<vmem>>, %arg15: memref<10240x64xbf16, #tpu.memory_space<vmem_shared>>, %arg16: memref<!tpu.dma_semaphore, #tpu.memory_space<semaphore_mem>>, %arg17: memref<!tpu.dma_semaphore, #tpu.memory_space<semaphore_mem>>, %arg18: memref<!tpu.dma_semaphore, #tpu.memory_space<semaphore_mem>>, %arg19: memref<!tpu.dma_semaphore, #tpu.memory_space<semaphore_mem>>) attributes {dimension_semantics = [#tpu.dimension_semantics<core_parallel>, #tpu.dimension_semantics<subcore_parallel>], iteration_bounds = array<i64: 2, 16>, scalar_prefetch = 0 : i64, scratch_operands = 11 : i64, tpu.core_type = #tpu.core_type<sc_vector_subcore>, window_params = [{transform_indices = #map}, {transform_indices = #map}, {transform_indices = #map1}, {transform_indices = #map1}, {transform_indices = #map}, {transform_indices = #map}, {transform_indices = #map}]} {
    %mul3A = arith.constant 640 : i32
    %mul3A_0 = arith.muli %arg1, %mul3A : i32
    "tpu.region"() ({
      %run_scoped3A = tpu.sem_alloc : memref<!tpu.dma_semaphore, #tpu.memory_space<semaphore_mem>>
      %dma_start3A = arith.constant 0 : i32
      %dma_start3A_55 = tpu.memref_slice %arg15[%mul3A_0, %dma_start3A] : memref<10240x64xbf16, #tpu.memory_space<vmem_shared>> -> memref<640x64xbf16, #tpu.memory_space<vmem_shared>>
      tpu.enqueue_dma source(%arg6 : memref<640x64xbf16, #tpu.memory_space<hbm>>) target(%dma_start3A_55 : memref<640x64xbf16, #tpu.memory_space<vmem_shared>>) target_semaphore(%run_scoped3A : memref<!tpu.dma_semaphore, #tpu.memory_space<semaphore_mem>>)
      %dma_wait3A = arith.constant 0 : i32
      %dma_wait3A_56 = tpu.memref_slice %arg15[%mul3A_0, %dma_wait3A] : memref<10240x64xbf16, #tpu.memory_space<vmem_shared>> -> memref<640x64xbf16, #tpu.memory_space<vmem_shared>>
      tpu.wait_dma2 semaphore(%run_scoped3A : memref<!tpu.dma_semaphore, #tpu.memory_space<semaphore_mem>>) src(%arg6 : memref<640x64xbf16, #tpu.memory_space<hbm>>) dst(%dma_wait3A_56 : memref<640x64xbf16, #tpu.memory_space<vmem_shared>>)
      tpu.yield
    }) : () -> ()
    "tpu.region"() ({
      %run_scoped3A = tpu.sem_alloc : memref<!tpu.dma_semaphore, #tpu.memory_space<semaphore_mem>>
      %dma_start3A = arith.constant 0 : i32
      %dma_start3A_55 = arith.constant 0 : i32
      %dma_start3A_56 = tpu.memref_slice %arg4[%arg1, %dma_start3A, %dma_start3A_55] : memref<16x80x256xi32, #tpu.memory_space<hbm>> -> memref<1x80x256xi32, #tpu.memory_space<hbm>>
      %dma_start3A_57 = tpu.memref_squeeze %dma_start3A_56 : memref<1x80x256xi32, #tpu.memory_space<hbm>> -> memref<80x256xi32, #tpu.memory_space<hbm>>
      %dma_start3A_58 = arith.constant 0 : i32
      %dma_start3A_59 = arith.constant 0 : i32
      %dma_start3A_60 = tpu.memref_slice %arg4[%arg1, %dma_start3A_58, %dma_start3A_59] : memref<16x80x256xi32, #tpu.memory_space<hbm>> -> memref<1x80x256xi32, #tpu.memory_space<hbm>>
      %dma_start3A_61 = tpu.memref_squeeze %dma_start3A_60 : memref<1x80x256xi32, #tpu.memory_space<hbm>> -> memref<80x256xi32, #tpu.memory_space<hbm>>
      tpu.enqueue_dma source(%dma_start3A_61 : memref<80x256xi32, #tpu.memory_space<hbm>>) target(%arg9 : memref<80x256xi32, #tpu.memory_space<vmem>>) target_semaphore(%run_scoped3A : memref<!tpu.dma_semaphore, #tpu.memory_space<semaphore_mem>>)
      %dma_wait3A = arith.constant 0 : i32
      %dma_wait3A_62 = arith.constant 0 : i32
      %dma_wait3A_63 = tpu.memref_slice %arg4[%arg1, %dma_wait3A, %dma_wait3A_62] : memref<16x80x256xi32, #tpu.memory_space<hbm>> -> memref<1x80x256xi32, #tpu.memory_space<hbm>>
      %dma_wait3A_64 = tpu.memref_squeeze %dma_wait3A_63 : memref<1x80x256xi32, #tpu.memory_space<hbm>> -> memref<80x256xi32, #tpu.memory_space<hbm>>
      %dma_wait3A_65 = arith.constant 0 : i32
      %dma_wait3A_66 = arith.constant 0 : i32
      %dma_wait3A_67 = tpu.memref_slice %arg4[%arg1, %dma_wait3A_65, %dma_wait3A_66] : memref<16x80x256xi32, #tpu.memory_space<hbm>> -> memref<1x80x256xi32, #tpu.memory_space<hbm>>
      %dma_wait3A_68 = tpu.memref_squeeze %dma_wait3A_67 : memref<1x80x256xi32, #tpu.memory_space<hbm>> -> memref<80x256xi32, #tpu.memory_space<hbm>>
      tpu.wait_dma2 semaphore(%run_scoped3A : memref<!tpu.dma_semaphore, #tpu.memory_space<semaphore_mem>>) src(%dma_wait3A_68 : memref<80x256xi32, #tpu.memory_space<hbm>>) dst(%arg9 : memref<80x256xi32, #tpu.memory_space<vmem>>)
      tpu.yield
    }) : () -> ()
    "tpu.region"() ({
      %run_scoped3A = tpu.sem_alloc : memref<!tpu.dma_semaphore, #tpu.memory_space<semaphore_mem>>
      %dma_start3A = arith.constant 0 : i32
      %dma_start3A_55 = arith.constant 0 : i32
      %dma_start3A_56 = tpu.memref_slice %arg5[%arg1, %dma_start3A, %dma_start3A_55] : memref<16x80x256xi32, #tpu.memory_space<hbm>> -> memref<1x80x256xi32, #tpu.memory_space<hbm>>
      %dma_start3A_57 = tpu.memref_squeeze %dma_start3A_56 : memref<1x80x256xi32, #tpu.memory_space<hbm>> -> memref<80x256xi32, #tpu.memory_space<hbm>>
      %dma_start3A_58 = arith.constant 0 : i32
      %dma_start3A_59 = arith.constant 0 : i32
      %dma_start3A_60 = tpu.memref_slice %arg5[%arg1, %dma_start3A_58, %dma_start3A_59] : memref<16x80x256xi32, #tpu.memory_space<hbm>> -> memref<1x80x256xi32, #tpu.memory_space<hbm>>
      %dma_start3A_61 = tpu.memref_squeeze %dma_start3A_60 : memref<1x80x256xi32, #tpu.memory_space<hbm>> -> memref<80x256xi32, #tpu.memory_space<hbm>>
      tpu.enqueue_dma source(%dma_start3A_61 : memref<80x256xi32, #tpu.memory_space<hbm>>) target(%arg10 : memref<80x256xi32, #tpu.memory_space<vmem>>) target_semaphore(%run_scoped3A : memref<!tpu.dma_semaphore, #tpu.memory_space<semaphore_mem>>)
      %dma_wait3A = arith.constant 0 : i32
      %dma_wait3A_62 = arith.constant 0 : i32
      %dma_wait3A_63 = tpu.memref_slice %arg5[%arg1, %dma_wait3A, %dma_wait3A_62] : memref<16x80x256xi32, #tpu.memory_space<hbm>> -> memref<1x80x256xi32, #tpu.memory_space<hbm>>
      %dma_wait3A_64 = tpu.memref_squeeze %dma_wait3A_63 : memref<1x80x256xi32, #tpu.memory_space<hbm>> -> memref<80x256xi32, #tpu.memory_space<hbm>>
      %dma_wait3A_65 = arith.constant 0 : i32
      %dma_wait3A_66 = arith.constant 0 : i32
      %dma_wait3A_67 = tpu.memref_slice %arg5[%arg1, %dma_wait3A_65, %dma_wait3A_66] : memref<16x80x256xi32, #tpu.memory_space<hbm>> -> memref<1x80x256xi32, #tpu.memory_space<hbm>>
      %dma_wait3A_68 = tpu.memref_squeeze %dma_wait3A_67 : memref<1x80x256xi32, #tpu.memory_space<hbm>> -> memref<80x256xi32, #tpu.memory_space<hbm>>
      tpu.wait_dma2 semaphore(%run_scoped3A : memref<!tpu.dma_semaphore, #tpu.memory_space<semaphore_mem>>) src(%dma_wait3A_68 : memref<80x256xi32, #tpu.memory_space<hbm>>) dst(%arg10 : memref<80x256xi32, #tpu.memory_space<vmem>>)
      tpu.yield
    }) : () -> ()
    %barrier3A = arith.constant 0 : index
    tpu.barrier barrier_id(%barrier3A)
    %eq3A = arith.constant 0 : i32
    %eq3A_1 = arith.cmpi eq, %arg0, %eq3A : i32
    %convert_element_type3A = arith.extui %eq3A_1 : i1 to i32
    %cond3A = arith.constant 0 : i32
    %cond3A_2 = arith.cmpi ne, %convert_element_type3A, %cond3A : i32
    scf.if %cond3A_2 {
      %dma_start3A = arith.constant 0 : i32
      %dma_start3A_55 = arith.constant 0 : i32
      %dma_start3A_56 = tpu.memref_slice %arg9[%dma_start3A, %dma_start3A_55] : memref<80x256xi32, #tpu.memory_space<vmem>> -> memref<1x256xi32, #tpu.memory_space<vmem>>
      %dma_start3A_57 = tpu.memref_squeeze %dma_start3A_56 : memref<1x256xi32, #tpu.memory_space<vmem>> -> memref<256xi32, #tpu.memory_space<vmem>>
      %dma_start3A_58 = arith.constant 0 : i32
      %dma_start3A_59 = arith.constant 0 : i32
      %dma_start3A_60 = tpu.memref_slice %arg2[%dma_start3A_58, %dma_start3A_59] : memref<10240x64xbf16, #tpu.memory_space<hbm>> -> memref<10240x64xbf16, #tpu.memory_space<hbm>>
      tpu.enqueue_indirect_dma source(%dma_start3A_60 : memref<10240x64xbf16, #tpu.memory_space<hbm>>) target(%arg11 : memref<256x64xbf16, #tpu.memory_space<vmem>>) offsets(%dma_start3A_57 : memref<256xi32, #tpu.memory_space<vmem>>) semaphore(%arg16 : memref<!tpu.dma_semaphore, #tpu.memory_space<semaphore_mem>>)
    } else {
    }
    %eq3A_3 = arith.constant 1 : i32
    %eq3A_4 = arith.cmpi eq, %arg0, %eq3A_3 : i32
    %convert_element_type3A_5 = arith.extui %eq3A_4 : i1 to i32
    %cond3A_6 = arith.constant 0 : i32
    %cond3A_7 = arith.cmpi ne, %convert_element_type3A_5, %cond3A_6 : i32
    scf.if %cond3A_7 {
      %dma_start3A = arith.constant 0 : i32
      %dma_start3A_55 = arith.constant 0 : i32
      %dma_start3A_56 = tpu.memref_slice %arg9[%dma_start3A, %dma_start3A_55] : memref<80x256xi32, #tpu.memory_space<vmem>> -> memref<1x256xi32, #tpu.memory_space<vmem>>
      %dma_start3A_57 = tpu.memref_squeeze %dma_start3A_56 : memref<1x256xi32, #tpu.memory_space<vmem>> -> memref<256xi32, #tpu.memory_space<vmem>>
      %dma_start3A_58 = arith.constant 0 : i32
      %dma_start3A_59 = arith.constant 0 : i32
      %dma_start3A_60 = tpu.memref_slice %arg3[%dma_start3A_58, %dma_start3A_59] : memref<10240x64xbf16, #tpu.memory_space<hbm>> -> memref<10240x64xbf16, #tpu.memory_space<hbm>>
      tpu.enqueue_indirect_dma source(%dma_start3A_60 : memref<10240x64xbf16, #tpu.memory_space<hbm>>) target(%arg11 : memref<256x64xbf16, #tpu.memory_space<vmem>>) offsets(%dma_start3A_57 : memref<256xi32, #tpu.memory_space<vmem>>) semaphore(%arg16 : memref<!tpu.dma_semaphore, #tpu.memory_space<semaphore_mem>>)
    } else {
    }
    %eq3A_8 = arith.constant 0 : i32
    %eq3A_9 = arith.cmpi eq, %arg0, %eq3A_8 : i32
    %convert_element_type3A_10 = arith.extui %eq3A_9 : i1 to i32
    %cond3A_11 = arith.constant 0 : i32
    %cond3A_12 = arith.cmpi ne, %convert_element_type3A_10, %cond3A_11 : i32
    scf.if %cond3A_12 {
      %dma_start3A = arith.constant 1 : i32
      %dma_start3A_55 = arith.constant 0 : i32
      %dma_start3A_56 = tpu.memref_slice %arg9[%dma_start3A, %dma_start3A_55] : memref<80x256xi32, #tpu.memory_space<vmem>> -> memref<1x256xi32, #tpu.memory_space<vmem>>
      %dma_start3A_57 = tpu.memref_squeeze %dma_start3A_56 : memref<1x256xi32, #tpu.memory_space<vmem>> -> memref<256xi32, #tpu.memory_space<vmem>>
      %dma_start3A_58 = arith.constant 0 : i32
      %dma_start3A_59 = arith.constant 0 : i32
      %dma_start3A_60 = tpu.memref_slice %arg2[%dma_start3A_58, %dma_start3A_59] : memref<10240x64xbf16, #tpu.memory_space<hbm>> -> memref<10240x64xbf16, #tpu.memory_space<hbm>>
      tpu.enqueue_indirect_dma source(%dma_start3A_60 : memref<10240x64xbf16, #tpu.memory_space<hbm>>) target(%arg12 : memref<256x64xbf16, #tpu.memory_space<vmem>>) offsets(%dma_start3A_57 : memref<256xi32, #tpu.memory_space<vmem>>) semaphore(%arg17 : memref<!tpu.dma_semaphore, #tpu.memory_space<semaphore_mem>>)
    } else {
    }
    %eq3A_13 = arith.constant 1 : i32
    %eq3A_14 = arith.cmpi eq, %arg0, %eq3A_13 : i32
    %convert_element_type3A_15 = arith.extui %eq3A_14 : i1 to i32
    %cond3A_16 = arith.constant 0 : i32
    %cond3A_17 = arith.cmpi ne, %convert_element_type3A_15, %cond3A_16 : i32
    scf.if %cond3A_17 {
      %dma_start3A = arith.constant 1 : i32
      %dma_start3A_55 = arith.constant 0 : i32
      %dma_start3A_56 = tpu.memref_slice %arg9[%dma_start3A, %dma_start3A_55] : memref<80x256xi32, #tpu.memory_space<vmem>> -> memref<1x256xi32, #tpu.memory_space<vmem>>
      %dma_start3A_57 = tpu.memref_squeeze %dma_start3A_56 : memref<1x256xi32, #tpu.memory_space<vmem>> -> memref<256xi32, #tpu.memory_space<vmem>>
      %dma_start3A_58 = arith.constant 0 : i32
      %dma_start3A_59 = arith.constant 0 : i32
      %dma_start3A_60 = tpu.memref_slice %arg3[%dma_start3A_58, %dma_start3A_59] : memref<10240x64xbf16, #tpu.memory_space<hbm>> -> memref<10240x64xbf16, #tpu.memory_space<hbm>>
      tpu.enqueue_indirect_dma source(%dma_start3A_60 : memref<10240x64xbf16, #tpu.memory_space<hbm>>) target(%arg12 : memref<256x64xbf16, #tpu.memory_space<vmem>>) offsets(%dma_start3A_57 : memref<256xi32, #tpu.memory_space<vmem>>) semaphore(%arg17 : memref<!tpu.dma_semaphore, #tpu.memory_space<semaphore_mem>>)
    } else {
    }
    %eq3A_18 = arith.constant 0 : i32
    %eq3A_19 = arith.cmpi eq, %arg0, %eq3A_18 : i32
    %convert_element_type3A_20 = arith.extui %eq3A_19 : i1 to i32
    %cond3A_21 = arith.constant 0 : i32
    %cond3A_22 = arith.cmpi ne, %convert_element_type3A_20, %cond3A_21 : i32
    scf.if %cond3A_22 {
      %dma_start3A = arith.constant 2 : i32
      %dma_start3A_55 = arith.constant 0 : i32
      %dma_start3A_56 = tpu.memref_slice %arg9[%dma_start3A, %dma_start3A_55] : memref<80x256xi32, #tpu.memory_space<vmem>> -> memref<1x256xi32, #tpu.memory_space<vmem>>
      %dma_start3A_57 = tpu.memref_squeeze %dma_start3A_56 : memref<1x256xi32, #tpu.memory_space<vmem>> -> memref<256xi32, #tpu.memory_space<vmem>>
      %dma_start3A_58 = arith.constant 0 : i32
      %dma_start3A_59 = arith.constant 0 : i32
      %dma_start3A_60 = tpu.memref_slice %arg2[%dma_start3A_58, %dma_start3A_59] : memref<10240x64xbf16, #tpu.memory_space<hbm>> -> memref<10240x64xbf16, #tpu.memory_space<hbm>>
      tpu.enqueue_indirect_dma source(%dma_start3A_60 : memref<10240x64xbf16, #tpu.memory_space<hbm>>) target(%arg13 : memref<256x64xbf16, #tpu.memory_space<vmem>>) offsets(%dma_start3A_57 : memref<256xi32, #tpu.memory_space<vmem>>) semaphore(%arg18 : memref<!tpu.dma_semaphore, #tpu.memory_space<semaphore_mem>>)
    } else {
    }
    %eq3A_23 = arith.constant 1 : i32
    %eq3A_24 = arith.cmpi eq, %arg0, %eq3A_23 : i32
    %convert_element_type3A_25 = arith.extui %eq3A_24 : i1 to i32
    %cond3A_26 = arith.constant 0 : i32
    %cond3A_27 = arith.cmpi ne, %convert_element_type3A_25, %cond3A_26 : i32
    scf.if %cond3A_27 {
      %dma_start3A = arith.constant 2 : i32
      %dma_start3A_55 = arith.constant 0 : i32
      %dma_start3A_56 = tpu.memref_slice %arg9[%dma_start3A, %dma_start3A_55] : memref<80x256xi32, #tpu.memory_space<vmem>> -> memref<1x256xi32, #tpu.memory_space<vmem>>
      %dma_start3A_57 = tpu.memref_squeeze %dma_start3A_56 : memref<1x256xi32, #tpu.memory_space<vmem>> -> memref<256xi32, #tpu.memory_space<vmem>>
      %dma_start3A_58 = arith.constant 0 : i32
      %dma_start3A_59 = arith.constant 0 : i32
      %dma_start3A_60 = tpu.memref_slice %arg3[%dma_start3A_58, %dma_start3A_59] : memref<10240x64xbf16, #tpu.memory_space<hbm>> -> memref<10240x64xbf16, #tpu.memory_space<hbm>>
      tpu.enqueue_indirect_dma source(%dma_start3A_60 : memref<10240x64xbf16, #tpu.memory_space<hbm>>) target(%arg13 : memref<256x64xbf16, #tpu.memory_space<vmem>>) offsets(%dma_start3A_57 : memref<256xi32, #tpu.memory_space<vmem>>) semaphore(%arg18 : memref<!tpu.dma_semaphore, #tpu.memory_space<semaphore_mem>>)
    } else {
    }
    %eq3A_28 = arith.constant 0 : i32
    %eq3A_29 = arith.cmpi eq, %arg0, %eq3A_28 : i32
    %convert_element_type3A_30 = arith.extui %eq3A_29 : i1 to i32
    %cond3A_31 = arith.constant 0 : i32
    %cond3A_32 = arith.cmpi ne, %convert_element_type3A_30, %cond3A_31 : i32
    scf.if %cond3A_32 {
      %dma_start3A = arith.constant 3 : i32
      %dma_start3A_55 = arith.constant 0 : i32
      %dma_start3A_56 = tpu.memref_slice %arg9[%dma_start3A, %dma_start3A_55] : memref<80x256xi32, #tpu.memory_space<vmem>> -> memref<1x256xi32, #tpu.memory_space<vmem>>
      %dma_start3A_57 = tpu.memref_squeeze %dma_start3A_56 : memref<1x256xi32, #tpu.memory_space<vmem>> -> memref<256xi32, #tpu.memory_space<vmem>>
      %dma_start3A_58 = arith.constant 0 : i32
      %dma_start3A_59 = arith.constant 0 : i32
      %dma_start3A_60 = tpu.memref_slice %arg2[%dma_start3A_58, %dma_start3A_59] : memref<10240x64xbf16, #tpu.memory_space<hbm>> -> memref<10240x64xbf16, #tpu.memory_space<hbm>>
      tpu.enqueue_indirect_dma source(%dma_start3A_60 : memref<10240x64xbf16, #tpu.memory_space<hbm>>) target(%arg14 : memref<256x64xbf16, #tpu.memory_space<vmem>>) offsets(%dma_start3A_57 : memref<256xi32, #tpu.memory_space<vmem>>) semaphore(%arg19 : memref<!tpu.dma_semaphore, #tpu.memory_space<semaphore_mem>>)
    } else {
    }
    %eq3A_33 = arith.constant 1 : i32
    %eq3A_34 = arith.cmpi eq, %arg0, %eq3A_33 : i32
    %convert_element_type3A_35 = arith.extui %eq3A_34 : i1 to i32
    %cond3A_36 = arith.constant 0 : i32
    %cond3A_37 = arith.cmpi ne, %convert_element_type3A_35, %cond3A_36 : i32
    scf.if %cond3A_37 {
      %dma_start3A = arith.constant 3 : i32
      %dma_start3A_55 = arith.constant 0 : i32
      %dma_start3A_56 = tpu.memref_slice %arg9[%dma_start3A, %dma_start3A_55] : memref<80x256xi32, #tpu.memory_space<vmem>> -> memref<1x256xi32, #tpu.memory_space<vmem>>
      %dma_start3A_57 = tpu.memref_squeeze %dma_start3A_56 : memref<1x256xi32, #tpu.memory_space<vmem>> -> memref<256xi32, #tpu.memory_space<vmem>>
      %dma_start3A_58 = arith.constant 0 : i32
      %dma_start3A_59 = arith.constant 0 : i32
      %dma_start3A_60 = tpu.memref_slice %arg3[%dma_start3A_58, %dma_start3A_59] : memref<10240x64xbf16, #tpu.memory_space<hbm>> -> memref<10240x64xbf16, #tpu.memory_space<hbm>>
      tpu.enqueue_indirect_dma source(%dma_start3A_60 : memref<10240x64xbf16, #tpu.memory_space<hbm>>) target(%arg14 : memref<256x64xbf16, #tpu.memory_space<vmem>>) offsets(%dma_start3A_57 : memref<256xi32, #tpu.memory_space<vmem>>) semaphore(%arg19 : memref<!tpu.dma_semaphore, #tpu.memory_space<semaphore_mem>>)
    } else {
    }
    %scan3A = arith.constant 0 : i32
    %scan3A_38 = arith.constant 0 : i32
    %scan3A_39 = arith.constant 20 : i32
    %scan3A_40 = arith.addi %scan3A_38, %scan3A_39 : i32
    %scan3A_41 = arith.constant 1 : i32
    %scan3A_42 = scf.for %scan3A_55 = %scan3A_38 to %scan3A_40 step %scan3A_41 iter_args(%scan3A_56 = %scan3A) -> (i32)  : i32 {
      %mul3A_57 = arith.constant 4 : i32
      %mul3A_58 = arith.muli %scan3A_55, %mul3A_57 : i32
      %add3A = arith.constant 0 : i32
      %add3A_59 = arith.addi %mul3A_58, %add3A : i32
      %dma_wait3A = arith.constant 0 : i32
      %dma_wait3A_60 = arith.constant 0 : i32
      %dma_wait3A_61 = tpu.memref_slice %arg9[%dma_wait3A, %dma_wait3A_60] : memref<80x256xi32, #tpu.memory_space<vmem>> -> memref<1x256xi32, #tpu.memory_space<vmem>>
      %dma_wait3A_62 = tpu.memref_squeeze %dma_wait3A_61 : memref<1x256xi32, #tpu.memory_space<vmem>> -> memref<256xi32, #tpu.memory_space<vmem>>
      %dma_wait3A_63 = arith.constant 0 : i32
      %dma_wait3A_64 = arith.constant 0 : i32
      %dma_wait3A_65 = tpu.memref_slice %arg2[%dma_wait3A_63, %dma_wait3A_64] : memref<10240x64xbf16, #tpu.memory_space<hbm>> -> memref<10240x64xbf16, #tpu.memory_space<hbm>>
      tpu.wait_indirect_dma semaphore(%arg16 : memref<!tpu.dma_semaphore, #tpu.memory_space<semaphore_mem>>) src(%dma_wait3A_65 : memref<10240x64xbf16, #tpu.memory_space<hbm>>) dst(%arg11 : memref<256x64xbf16, #tpu.memory_space<vmem>>)
      "tpu.region"() ({
        %run_scoped3A = tpu.sem_alloc : memref<!tpu.dma_semaphore, #tpu.memory_space<semaphore_mem>>
        %dma_start3A = arith.constant 0 : i32
        %dma_start3A_127 = tpu.memref_slice %arg10[%add3A_59, %dma_start3A] : memref<80x256xi32, #tpu.memory_space<vmem>> -> memref<1x256xi32, #tpu.memory_space<vmem>>
        %dma_start3A_128 = tpu.memref_squeeze %dma_start3A_127 : memref<1x256xi32, #tpu.memory_space<vmem>> -> memref<256xi32, #tpu.memory_space<vmem>>
        %dma_start3A_129 = arith.constant 0 : i32
        %dma_start3A_130 = arith.constant 0 : i32
        %dma_start3A_131 = tpu.memref_slice %arg15[%dma_start3A_129, %dma_start3A_130] : memref<10240x64xbf16, #tpu.memory_space<vmem_shared>> -> memref<10240x64xbf16, #tpu.memory_space<vmem_shared>>
        tpu.enqueue_indirect_dma source(%arg11 : memref<256x64xbf16, #tpu.memory_space<vmem>>) target(%dma_start3A_131 : memref<10240x64xbf16, #tpu.memory_space<vmem_shared>>) offsets(%dma_start3A_128 : memref<256xi32, #tpu.memory_space<vmem>>) semaphore(%run_scoped3A : memref<!tpu.dma_semaphore, #tpu.memory_space<semaphore_mem>>) {add = true}
        %dma_wait3A_132 = arith.constant 0 : i32
        %dma_wait3A_133 = tpu.memref_slice %arg10[%add3A_59, %dma_wait3A_132] : memref<80x256xi32, #tpu.memory_space<vmem>> -> memref<1x256xi32, #tpu.memory_space<vmem>>
        %dma_wait3A_134 = tpu.memref_squeeze %dma_wait3A_133 : memref<1x256xi32, #tpu.memory_space<vmem>> -> memref<256xi32, #tpu.memory_space<vmem>>
        %dma_wait3A_135 = arith.constant 0 : i32
        %dma_wait3A_136 = arith.constant 0 : i32
        %dma_wait3A_137 = tpu.memref_slice %arg15[%dma_wait3A_135, %dma_wait3A_136] : memref<10240x64xbf16, #tpu.memory_space<vmem_shared>> -> memref<10240x64xbf16, #tpu.memory_space<vmem_shared>>
        tpu.wait_indirect_dma semaphore(%run_scoped3A : memref<!tpu.dma_semaphore, #tpu.memory_space<semaphore_mem>>) src(%arg11 : memref<256x64xbf16, #tpu.memory_space<vmem>>) dst(%dma_wait3A_137 : memref<10240x64xbf16, #tpu.memory_space<vmem_shared>>)
        tpu.yield
      }) : () -> ()
      %add3A_66 = arith.constant 4 : i32
      %add3A_67 = arith.addi %add3A_59, %add3A_66 : i32
      %lt3A = arith.constant 80 : i32
      %lt3A_68 = arith.cmpi slt, %add3A_67, %lt3A : i32
      %convert_element_type3A_69 = arith.extui %lt3A_68 : i1 to i32
      %cond3A_70 = arith.constant 0 : i32
      %cond3A_71 = arith.cmpi ne, %convert_element_type3A_69, %cond3A_70 : i32
      scf.if %cond3A_71 {
        %eq3A_127 = arith.constant 0 : i32
        %eq3A_128 = arith.cmpi eq, %arg0, %eq3A_127 : i32
        %convert_element_type3A_129 = arith.extui %eq3A_128 : i1 to i32
        %cond3A_130 = arith.constant 0 : i32
        %cond3A_131 = arith.cmpi ne, %convert_element_type3A_129, %cond3A_130 : i32
        scf.if %cond3A_131 {
          %dma_start3A = arith.constant 0 : i32
          %dma_start3A_137 = tpu.memref_slice %arg9[%add3A_67, %dma_start3A] : memref<80x256xi32, #tpu.memory_space<vmem>> -> memref<1x256xi32, #tpu.memory_space<vmem>>
          %dma_start3A_138 = tpu.memref_squeeze %dma_start3A_137 : memref<1x256xi32, #tpu.memory_space<vmem>> -> memref<256xi32, #tpu.memory_space<vmem>>
          %dma_start3A_139 = arith.constant 0 : i32
          %dma_start3A_140 = arith.constant 0 : i32
          %dma_start3A_141 = tpu.memref_slice %arg2[%dma_start3A_139, %dma_start3A_140] : memref<10240x64xbf16, #tpu.memory_space<hbm>> -> memref<10240x64xbf16, #tpu.memory_space<hbm>>
          tpu.enqueue_indirect_dma source(%dma_start3A_141 : memref<10240x64xbf16, #tpu.memory_space<hbm>>) target(%arg11 : memref<256x64xbf16, #tpu.memory_space<vmem>>) offsets(%dma_start3A_138 : memref<256xi32, #tpu.memory_space<vmem>>) semaphore(%arg16 : memref<!tpu.dma_semaphore, #tpu.memory_space<semaphore_mem>>)
        } else {
        }
        %eq3A_132 = arith.constant 1 : i32
        %eq3A_133 = arith.cmpi eq, %arg0, %eq3A_132 : i32
        %convert_element_type3A_134 = arith.extui %eq3A_133 : i1 to i32
        %cond3A_135 = arith.constant 0 : i32
        %cond3A_136 = arith.cmpi ne, %convert_element_type3A_134, %cond3A_135 : i32
        scf.if %cond3A_136 {
          %dma_start3A = arith.constant 0 : i32
          %dma_start3A_137 = tpu.memref_slice %arg9[%add3A_67, %dma_start3A] : memref<80x256xi32, #tpu.memory_space<vmem>> -> memref<1x256xi32, #tpu.memory_space<vmem>>
          %dma_start3A_138 = tpu.memref_squeeze %dma_start3A_137 : memref<1x256xi32, #tpu.memory_space<vmem>> -> memref<256xi32, #tpu.memory_space<vmem>>
          %dma_start3A_139 = arith.constant 0 : i32
          %dma_start3A_140 = arith.constant 0 : i32
          %dma_start3A_141 = tpu.memref_slice %arg3[%dma_start3A_139, %dma_start3A_140] : memref<10240x64xbf16, #tpu.memory_space<hbm>> -> memref<10240x64xbf16, #tpu.memory_space<hbm>>
          tpu.enqueue_indirect_dma source(%dma_start3A_141 : memref<10240x64xbf16, #tpu.memory_space<hbm>>) target(%arg11 : memref<256x64xbf16, #tpu.memory_space<vmem>>) offsets(%dma_start3A_138 : memref<256xi32, #tpu.memory_space<vmem>>) semaphore(%arg16 : memref<!tpu.dma_semaphore, #tpu.memory_space<semaphore_mem>>)
        } else {
        }
      } else {
      }
      %mul3A_72 = arith.constant 4 : i32
      %mul3A_73 = arith.muli %scan3A_55, %mul3A_72 : i32
      %add3A_74 = arith.constant 1 : i32
      %add3A_75 = arith.addi %mul3A_73, %add3A_74 : i32
      %dma_wait3A_76 = arith.constant 0 : i32
      %dma_wait3A_77 = arith.constant 0 : i32
      %dma_wait3A_78 = tpu.memref_slice %arg9[%dma_wait3A_76, %dma_wait3A_77] : memref<80x256xi32, #tpu.memory_space<vmem>> -> memref<1x256xi32, #tpu.memory_space<vmem>>
      %dma_wait3A_79 = tpu.memref_squeeze %dma_wait3A_78 : memref<1x256xi32, #tpu.memory_space<vmem>> -> memref<256xi32, #tpu.memory_space<vmem>>
      %dma_wait3A_80 = arith.constant 0 : i32
      %dma_wait3A_81 = arith.constant 0 : i32
      %dma_wait3A_82 = tpu.memref_slice %arg2[%dma_wait3A_80, %dma_wait3A_81] : memref<10240x64xbf16, #tpu.memory_space<hbm>> -> memref<10240x64xbf16, #tpu.memory_space<hbm>>
      tpu.wait_indirect_dma semaphore(%arg17 : memref<!tpu.dma_semaphore, #tpu.memory_space<semaphore_mem>>) src(%dma_wait3A_82 : memref<10240x64xbf16, #tpu.memory_space<hbm>>) dst(%arg12 : memref<256x64xbf16, #tpu.memory_space<vmem>>)
      "tpu.region"() ({
        %run_scoped3A = tpu.sem_alloc : memref<!tpu.dma_semaphore, #tpu.memory_space<semaphore_mem>>
        %dma_start3A = arith.constant 0 : i32
        %dma_start3A_127 = tpu.memref_slice %arg10[%add3A_75, %dma_start3A] : memref<80x256xi32, #tpu.memory_space<vmem>> -> memref<1x256xi32, #tpu.memory_space<vmem>>
        %dma_start3A_128 = tpu.memref_squeeze %dma_start3A_127 : memref<1x256xi32, #tpu.memory_space<vmem>> -> memref<256xi32, #tpu.memory_space<vmem>>
        %dma_start3A_129 = arith.constant 0 : i32
        %dma_start3A_130 = arith.constant 0 : i32
        %dma_start3A_131 = tpu.memref_slice %arg15[%dma_start3A_129, %dma_start3A_130] : memref<10240x64xbf16, #tpu.memory_space<vmem_shared>> -> memref<10240x64xbf16, #tpu.memory_space<vmem_shared>>
        tpu.enqueue_indirect_dma source(%arg12 : memref<256x64xbf16, #tpu.memory_space<vmem>>) target(%dma_start3A_131 : memref<10240x64xbf16, #tpu.memory_space<vmem_shared>>) offsets(%dma_start3A_128 : memref<256xi32, #tpu.memory_space<vmem>>) semaphore(%run_scoped3A : memref<!tpu.dma_semaphore, #tpu.memory_space<semaphore_mem>>) {add = true}
        %dma_wait3A_132 = arith.constant 0 : i32
        %dma_wait3A_133 = tpu.memref_slice %arg10[%add3A_75, %dma_wait3A_132] : memref<80x256xi32, #tpu.memory_space<vmem>> -> memref<1x256xi32, #tpu.memory_space<vmem>>
        %dma_wait3A_134 = tpu.memref_squeeze %dma_wait3A_133 : memref<1x256xi32, #tpu.memory_space<vmem>> -> memref<256xi32, #tpu.memory_space<vmem>>
        %dma_wait3A_135 = arith.constant 0 : i32
        %dma_wait3A_136 = arith.constant 0 : i32
        %dma_wait3A_137 = tpu.memref_slice %arg15[%dma_wait3A_135, %dma_wait3A_136] : memref<10240x64xbf16, #tpu.memory_space<vmem_shared>> -> memref<10240x64xbf16, #tpu.memory_space<vmem_shared>>
        tpu.wait_indirect_dma semaphore(%run_scoped3A : memref<!tpu.dma_semaphore, #tpu.memory_space<semaphore_mem>>) src(%arg12 : memref<256x64xbf16, #tpu.memory_space<vmem>>) dst(%dma_wait3A_137 : memref<10240x64xbf16, #tpu.memory_space<vmem_shared>>)
        tpu.yield
      }) : () -> ()
      %add3A_83 = arith.constant 4 : i32
      %add3A_84 = arith.addi %add3A_75, %add3A_83 : i32
      %lt3A_85 = arith.constant 80 : i32
      %lt3A_86 = arith.cmpi slt, %add3A_84, %lt3A_85 : i32
      %convert_element_type3A_87 = arith.extui %lt3A_86 : i1 to i32
      %cond3A_88 = arith.constant 0 : i32
      %cond3A_89 = arith.cmpi ne, %convert_element_type3A_87, %cond3A_88 : i32
      scf.if %cond3A_89 {
        %eq3A_127 = arith.constant 0 : i32
        %eq3A_128 = arith.cmpi eq, %arg0, %eq3A_127 : i32
        %convert_element_type3A_129 = arith.extui %eq3A_128 : i1 to i32
        %cond3A_130 = arith.constant 0 : i32
        %cond3A_131 = arith.cmpi ne, %convert_element_type3A_129, %cond3A_130 : i32
        scf.if %cond3A_131 {
          %dma_start3A = arith.constant 0 : i32
          %dma_start3A_137 = tpu.memref_slice %arg9[%add3A_84, %dma_start3A] : memref<80x256xi32, #tpu.memory_space<vmem>> -> memref<1x256xi32, #tpu.memory_space<vmem>>
          %dma_start3A_138 = tpu.memref_squeeze %dma_start3A_137 : memref<1x256xi32, #tpu.memory_space<vmem>> -> memref<256xi32, #tpu.memory_space<vmem>>
          %dma_start3A_139 = arith.constant 0 : i32
          %dma_start3A_140 = arith.constant 0 : i32
          %dma_start3A_141 = tpu.memref_slice %arg2[%dma_start3A_139, %dma_start3A_140] : memref<10240x64xbf16, #tpu.memory_space<hbm>> -> memref<10240x64xbf16, #tpu.memory_space<hbm>>
          tpu.enqueue_indirect_dma source(%dma_start3A_141 : memref<10240x64xbf16, #tpu.memory_space<hbm>>) target(%arg12 : memref<256x64xbf16, #tpu.memory_space<vmem>>) offsets(%dma_start3A_138 : memref<256xi32, #tpu.memory_space<vmem>>) semaphore(%arg17 : memref<!tpu.dma_semaphore, #tpu.memory_space<semaphore_mem>>)
        } else {
        }
        %eq3A_132 = arith.constant 1 : i32
        %eq3A_133 = arith.cmpi eq, %arg0, %eq3A_132 : i32
        %convert_element_type3A_134 = arith.extui %eq3A_133 : i1 to i32
        %cond3A_135 = arith.constant 0 : i32
        %cond3A_136 = arith.cmpi ne, %convert_element_type3A_134, %cond3A_135 : i32
        scf.if %cond3A_136 {
          %dma_start3A = arith.constant 0 : i32
          %dma_start3A_137 = tpu.memref_slice %arg9[%add3A_84, %dma_start3A] : memref<80x256xi32, #tpu.memory_space<vmem>> -> memref<1x256xi32, #tpu.memory_space<vmem>>
          %dma_start3A_138 = tpu.memref_squeeze %dma_start3A_137 : memref<1x256xi32, #tpu.memory_space<vmem>> -> memref<256xi32, #tpu.memory_space<vmem>>
          %dma_start3A_139 = arith.constant 0 : i32
          %dma_start3A_140 = arith.constant 0 : i32
          %dma_start3A_141 = tpu.memref_slice %arg3[%dma_start3A_139, %dma_start3A_140] : memref<10240x64xbf16, #tpu.memory_space<hbm>> -> memref<10240x64xbf16, #tpu.memory_space<hbm>>
          tpu.enqueue_indirect_dma source(%dma_start3A_141 : memref<10240x64xbf16, #tpu.memory_space<hbm>>) target(%arg12 : memref<256x64xbf16, #tpu.memory_space<vmem>>) offsets(%dma_start3A_138 : memref<256xi32, #tpu.memory_space<vmem>>) semaphore(%arg17 : memref<!tpu.dma_semaphore, #tpu.memory_space<semaphore_mem>>)
        } else {
        }
      } else {
      }
      %mul3A_90 = arith.constant 4 : i32
      %mul3A_91 = arith.muli %scan3A_55, %mul3A_90 : i32
      %add3A_92 = arith.constant 2 : i32
      %add3A_93 = arith.addi %mul3A_91, %add3A_92 : i32
      %dma_wait3A_94 = arith.constant 0 : i32
      %dma_wait3A_95 = arith.constant 0 : i32
      %dma_wait3A_96 = tpu.memref_slice %arg9[%dma_wait3A_94, %dma_wait3A_95] : memref<80x256xi32, #tpu.memory_space<vmem>> -> memref<1x256xi32, #tpu.memory_space<vmem>>
      %dma_wait3A_97 = tpu.memref_squeeze %dma_wait3A_96 : memref<1x256xi32, #tpu.memory_space<vmem>> -> memref<256xi32, #tpu.memory_space<vmem>>
      %dma_wait3A_98 = arith.constant 0 : i32
      %dma_wait3A_99 = arith.constant 0 : i32
      %dma_wait3A_100 = tpu.memref_slice %arg2[%dma_wait3A_98, %dma_wait3A_99] : memref<10240x64xbf16, #tpu.memory_space<hbm>> -> memref<10240x64xbf16, #tpu.memory_space<hbm>>
      tpu.wait_indirect_dma semaphore(%arg18 : memref<!tpu.dma_semaphore, #tpu.memory_space<semaphore_mem>>) src(%dma_wait3A_100 : memref<10240x64xbf16, #tpu.memory_space<hbm>>) dst(%arg13 : memref<256x64xbf16, #tpu.memory_space<vmem>>)
      "tpu.region"() ({
        %run_scoped3A = tpu.sem_alloc : memref<!tpu.dma_semaphore, #tpu.memory_space<semaphore_mem>>
        %dma_start3A = arith.constant 0 : i32
        %dma_start3A_127 = tpu.memref_slice %arg10[%add3A_93, %dma_start3A] : memref<80x256xi32, #tpu.memory_space<vmem>> -> memref<1x256xi32, #tpu.memory_space<vmem>>
        %dma_start3A_128 = tpu.memref_squeeze %dma_start3A_127 : memref<1x256xi32, #tpu.memory_space<vmem>> -> memref<256xi32, #tpu.memory_space<vmem>>
        %dma_start3A_129 = arith.constant 0 : i32
        %dma_start3A_130 = arith.constant 0 : i32
        %dma_start3A_131 = tpu.memref_slice %arg15[%dma_start3A_129, %dma_start3A_130] : memref<10240x64xbf16, #tpu.memory_space<vmem_shared>> -> memref<10240x64xbf16, #tpu.memory_space<vmem_shared>>
        tpu.enqueue_indirect_dma source(%arg13 : memref<256x64xbf16, #tpu.memory_space<vmem>>) target(%dma_start3A_131 : memref<10240x64xbf16, #tpu.memory_space<vmem_shared>>) offsets(%dma_start3A_128 : memref<256xi32, #tpu.memory_space<vmem>>) semaphore(%run_scoped3A : memref<!tpu.dma_semaphore, #tpu.memory_space<semaphore_mem>>) {add = true}
        %dma_wait3A_132 = arith.constant 0 : i32
        %dma_wait3A_133 = tpu.memref_slice %arg10[%add3A_93, %dma_wait3A_132] : memref<80x256xi32, #tpu.memory_space<vmem>> -> memref<1x256xi32, #tpu.memory_space<vmem>>
        %dma_wait3A_134 = tpu.memref_squeeze %dma_wait3A_133 : memref<1x256xi32, #tpu.memory_space<vmem>> -> memref<256xi32, #tpu.memory_space<vmem>>
        %dma_wait3A_135 = arith.constant 0 : i32
        %dma_wait3A_136 = arith.constant 0 : i32
        %dma_wait3A_137 = tpu.memref_slice %arg15[%dma_wait3A_135, %dma_wait3A_136] : memref<10240x64xbf16, #tpu.memory_space<vmem_shared>> -> memref<10240x64xbf16, #tpu.memory_space<vmem_shared>>
        tpu.wait_indirect_dma semaphore(%run_scoped3A : memref<!tpu.dma_semaphore, #tpu.memory_space<semaphore_mem>>) src(%arg13 : memref<256x64xbf16, #tpu.memory_space<vmem>>) dst(%dma_wait3A_137 : memref<10240x64xbf16, #tpu.memory_space<vmem_shared>>)
        tpu.yield
      }) : () -> ()
      %add3A_101 = arith.constant 4 : i32
      %add3A_102 = arith.addi %add3A_93, %add3A_101 : i32
      %lt3A_103 = arith.constant 80 : i32
      %lt3A_104 = arith.cmpi slt, %add3A_102, %lt3A_103 : i32
      %convert_element_type3A_105 = arith.extui %lt3A_104 : i1 to i32
      %cond3A_106 = arith.constant 0 : i32
      %cond3A_107 = arith.cmpi ne, %convert_element_type3A_105, %cond3A_106 : i32
      scf.if %cond3A_107 {
        %eq3A_127 = arith.constant 0 : i32
        %eq3A_128 = arith.cmpi eq, %arg0, %eq3A_127 : i32
        %convert_element_type3A_129 = arith.extui %eq3A_128 : i1 to i32
        %cond3A_130 = arith.constant 0 : i32
        %cond3A_131 = arith.cmpi ne, %convert_element_type3A_129, %cond3A_130 : i32
        scf.if %cond3A_131 {
          %dma_start3A = arith.constant 0 : i32
          %dma_start3A_137 = tpu.memref_slice %arg9[%add3A_102, %dma_start3A] : memref<80x256xi32, #tpu.memory_space<vmem>> -> memref<1x256xi32, #tpu.memory_space<vmem>>
          %dma_start3A_138 = tpu.memref_squeeze %dma_start3A_137 : memref<1x256xi32, #tpu.memory_space<vmem>> -> memref<256xi32, #tpu.memory_space<vmem>>
          %dma_start3A_139 = arith.constant 0 : i32
          %dma_start3A_140 = arith.constant 0 : i32
          %dma_start3A_141 = tpu.memref_slice %arg2[%dma_start3A_139, %dma_start3A_140] : memref<10240x64xbf16, #tpu.memory_space<hbm>> -> memref<10240x64xbf16, #tpu.memory_space<hbm>>
          tpu.enqueue_indirect_dma source(%dma_start3A_141 : memref<10240x64xbf16, #tpu.memory_space<hbm>>) target(%arg13 : memref<256x64xbf16, #tpu.memory_space<vmem>>) offsets(%dma_start3A_138 : memref<256xi32, #tpu.memory_space<vmem>>) semaphore(%arg18 : memref<!tpu.dma_semaphore, #tpu.memory_space<semaphore_mem>>)
        } else {
        }
        %eq3A_132 = arith.constant 1 : i32
        %eq3A_133 = arith.cmpi eq, %arg0, %eq3A_132 : i32
        %convert_element_type3A_134 = arith.extui %eq3A_133 : i1 to i32
        %cond3A_135 = arith.constant 0 : i32
        %cond3A_136 = arith.cmpi ne, %convert_element_type3A_134, %cond3A_135 : i32
        scf.if %cond3A_136 {
          %dma_start3A = arith.constant 0 : i32
          %dma_start3A_137 = tpu.memref_slice %arg9[%add3A_102, %dma_start3A] : memref<80x256xi32, #tpu.memory_space<vmem>> -> memref<1x256xi32, #tpu.memory_space<vmem>>
          %dma_start3A_138 = tpu.memref_squeeze %dma_start3A_137 : memref<1x256xi32, #tpu.memory_space<vmem>> -> memref<256xi32, #tpu.memory_space<vmem>>
          %dma_start3A_139 = arith.constant 0 : i32
          %dma_start3A_140 = arith.constant 0 : i32
          %dma_start3A_141 = tpu.memref_slice %arg3[%dma_start3A_139, %dma_start3A_140] : memref<10240x64xbf16, #tpu.memory_space<hbm>> -> memref<10240x64xbf16, #tpu.memory_space<hbm>>
          tpu.enqueue_indirect_dma source(%dma_start3A_141 : memref<10240x64xbf16, #tpu.memory_space<hbm>>) target(%arg13 : memref<256x64xbf16, #tpu.memory_space<vmem>>) offsets(%dma_start3A_138 : memref<256xi32, #tpu.memory_space<vmem>>) semaphore(%arg18 : memref<!tpu.dma_semaphore, #tpu.memory_space<semaphore_mem>>)
        } else {
        }
      } else {
      }
      %mul3A_108 = arith.constant 4 : i32
      %mul3A_109 = arith.muli %scan3A_55, %mul3A_108 : i32
      %add3A_110 = arith.constant 3 : i32
      %add3A_111 = arith.addi %mul3A_109, %add3A_110 : i32
      %dma_wait3A_112 = arith.constant 0 : i32
      %dma_wait3A_113 = arith.constant 0 : i32
      %dma_wait3A_114 = tpu.memref_slice %arg9[%dma_wait3A_112, %dma_wait3A_113] : memref<80x256xi32, #tpu.memory_space<vmem>> -> memref<1x256xi32, #tpu.memory_space<vmem>>
      %dma_wait3A_115 = tpu.memref_squeeze %dma_wait3A_114 : memref<1x256xi32, #tpu.memory_space<vmem>> -> memref<256xi32, #tpu.memory_space<vmem>>
      %dma_wait3A_116 = arith.constant 0 : i32
      %dma_wait3A_117 = arith.constant 0 : i32
      %dma_wait3A_118 = tpu.memref_slice %arg2[%dma_wait3A_116, %dma_wait3A_117] : memref<10240x64xbf16, #tpu.memory_space<hbm>> -> memref<10240x64xbf16, #tpu.memory_space<hbm>>
      tpu.wait_indirect_dma semaphore(%arg19 : memref<!tpu.dma_semaphore, #tpu.memory_space<semaphore_mem>>) src(%dma_wait3A_118 : memref<10240x64xbf16, #tpu.memory_space<hbm>>) dst(%arg14 : memref<256x64xbf16, #tpu.memory_space<vmem>>)
      "tpu.region"() ({
        %run_scoped3A = tpu.sem_alloc : memref<!tpu.dma_semaphore, #tpu.memory_space<semaphore_mem>>
        %dma_start3A = arith.constant 0 : i32
        %dma_start3A_127 = tpu.memref_slice %arg10[%add3A_111, %dma_start3A] : memref<80x256xi32, #tpu.memory_space<vmem>> -> memref<1x256xi32, #tpu.memory_space<vmem>>
        %dma_start3A_128 = tpu.memref_squeeze %dma_start3A_127 : memref<1x256xi32, #tpu.memory_space<vmem>> -> memref<256xi32, #tpu.memory_space<vmem>>
        %dma_start3A_129 = arith.constant 0 : i32
        %dma_start3A_130 = arith.constant 0 : i32
        %dma_start3A_131 = tpu.memref_slice %arg15[%dma_start3A_129, %dma_start3A_130] : memref<10240x64xbf16, #tpu.memory_space<vmem_shared>> -> memref<10240x64xbf16, #tpu.memory_space<vmem_shared>>
        tpu.enqueue_indirect_dma source(%arg14 : memref<256x64xbf16, #tpu.memory_space<vmem>>) target(%dma_start3A_131 : memref<10240x64xbf16, #tpu.memory_space<vmem_shared>>) offsets(%dma_start3A_128 : memref<256xi32, #tpu.memory_space<vmem>>) semaphore(%run_scoped3A : memref<!tpu.dma_semaphore, #tpu.memory_space<semaphore_mem>>) {add = true}
        %dma_wait3A_132 = arith.constant 0 : i32
        %dma_wait3A_133 = tpu.memref_slice %arg10[%add3A_111, %dma_wait3A_132] : memref<80x256xi32, #tpu.memory_space<vmem>> -> memref<1x256xi32, #tpu.memory_space<vmem>>
        %dma_wait3A_134 = tpu.memref_squeeze %dma_wait3A_133 : memref<1x256xi32, #tpu.memory_space<vmem>> -> memref<256xi32, #tpu.memory_space<vmem>>
        %dma_wait3A_135 = arith.constant 0 : i32
        %dma_wait3A_136 = arith.constant 0 : i32
        %dma_wait3A_137 = tpu.memref_slice %arg15[%dma_wait3A_135, %dma_wait3A_136] : memref<10240x64xbf16, #tpu.memory_space<vmem_shared>> -> memref<10240x64xbf16, #tpu.memory_space<vmem_shared>>
        tpu.wait_indirect_dma semaphore(%run_scoped3A : memref<!tpu.dma_semaphore, #tpu.memory_space<semaphore_mem>>) src(%arg14 : memref<256x64xbf16, #tpu.memory_space<vmem>>) dst(%dma_wait3A_137 : memref<10240x64xbf16, #tpu.memory_space<vmem_shared>>)
        tpu.yield
      }) : () -> ()
      %add3A_119 = arith.constant 4 : i32
      %add3A_120 = arith.addi %add3A_111, %add3A_119 : i32
      %lt3A_121 = arith.constant 80 : i32
      %lt3A_122 = arith.cmpi slt, %add3A_120, %lt3A_121 : i32
      %convert_element_type3A_123 = arith.extui %lt3A_122 : i1 to i32
      %cond3A_124 = arith.constant 0 : i32
      %cond3A_125 = arith.cmpi ne, %convert_element_type3A_123, %cond3A_124 : i32
      scf.if %cond3A_125 {
        %eq3A_127 = arith.constant 0 : i32
        %eq3A_128 = arith.cmpi eq, %arg0, %eq3A_127 : i32
        %convert_element_type3A_129 = arith.extui %eq3A_128 : i1 to i32
        %cond3A_130 = arith.constant 0 : i32
        %cond3A_131 = arith.cmpi ne, %convert_element_type3A_129, %cond3A_130 : i32
        scf.if %cond3A_131 {
          %dma_start3A = arith.constant 0 : i32
          %dma_start3A_137 = tpu.memref_slice %arg9[%add3A_120, %dma_start3A] : memref<80x256xi32, #tpu.memory_space<vmem>> -> memref<1x256xi32, #tpu.memory_space<vmem>>
          %dma_start3A_138 = tpu.memref_squeeze %dma_start3A_137 : memref<1x256xi32, #tpu.memory_space<vmem>> -> memref<256xi32, #tpu.memory_space<vmem>>
          %dma_start3A_139 = arith.constant 0 : i32
          %dma_start3A_140 = arith.constant 0 : i32
          %dma_start3A_141 = tpu.memref_slice %arg2[%dma_start3A_139, %dma_start3A_140] : memref<10240x64xbf16, #tpu.memory_space<hbm>> -> memref<10240x64xbf16, #tpu.memory_space<hbm>>
          tpu.enqueue_indirect_dma source(%dma_start3A_141 : memref<10240x64xbf16, #tpu.memory_space<hbm>>) target(%arg14 : memref<256x64xbf16, #tpu.memory_space<vmem>>) offsets(%dma_start3A_138 : memref<256xi32, #tpu.memory_space<vmem>>) semaphore(%arg19 : memref<!tpu.dma_semaphore, #tpu.memory_space<semaphore_mem>>)
        } else {
        }
        %eq3A_132 = arith.constant 1 : i32
        %eq3A_133 = arith.cmpi eq, %arg0, %eq3A_132 : i32
        %convert_element_type3A_134 = arith.extui %eq3A_133 : i1 to i32
        %cond3A_135 = arith.constant 0 : i32
        %cond3A_136 = arith.cmpi ne, %convert_element_type3A_134, %cond3A_135 : i32
        scf.if %cond3A_136 {
          %dma_start3A = arith.constant 0 : i32
          %dma_start3A_137 = tpu.memref_slice %arg9[%add3A_120, %dma_start3A] : memref<80x256xi32, #tpu.memory_space<vmem>> -> memref<1x256xi32, #tpu.memory_space<vmem>>
          %dma_start3A_138 = tpu.memref_squeeze %dma_start3A_137 : memref<1x256xi32, #tpu.memory_space<vmem>> -> memref<256xi32, #tpu.memory_space<vmem>>
          %dma_start3A_139 = arith.constant 0 : i32
          %dma_start3A_140 = arith.constant 0 : i32
          %dma_start3A_141 = tpu.memref_slice %arg3[%dma_start3A_139, %dma_start3A_140] : memref<10240x64xbf16, #tpu.memory_space<hbm>> -> memref<10240x64xbf16, #tpu.memory_space<hbm>>
          tpu.enqueue_indirect_dma source(%dma_start3A_141 : memref<10240x64xbf16, #tpu.memory_space<hbm>>) target(%arg14 : memref<256x64xbf16, #tpu.memory_space<vmem>>) offsets(%dma_start3A_138 : memref<256xi32, #tpu.memory_space<vmem>>) semaphore(%arg19 : memref<!tpu.dma_semaphore, #tpu.memory_space<semaphore_mem>>)
        } else {
        }
      } else {
      }
      %scan3A_126 = arith.constant 0 : i32
      scf.yield %scan3A_126 : i32
    }
    %scan3A_43 = arith.constant 20 : i32
    %barrier3A_44 = arith.constant 0 : index
    tpu.barrier barrier_id(%barrier3A_44)
    %eq3A_45 = arith.constant 0 : i32
    %eq3A_46 = arith.cmpi eq, %arg0, %eq3A_45 : i32
    %convert_element_type3A_47 = arith.extui %eq3A_46 : i1 to i32
    %cond3A_48 = arith.constant 0 : i32
    %cond3A_49 = arith.cmpi ne, %convert_element_type3A_47, %cond3A_48 : i32
    scf.if %cond3A_49 {
      %mul3A_55 = arith.constant 640 : i32
      %mul3A_56 = arith.muli %arg1, %mul3A_55 : i32
      %mul3A_57 = arith.constant 640 : i32
      %mul3A_58 = arith.muli %arg1, %mul3A_57 : i32
      "tpu.region"() ({
        %run_scoped3A = tpu.sem_alloc : memref<!tpu.dma_semaphore, #tpu.memory_space<semaphore_mem>>
        %dma_start3A = arith.constant 0 : i32
        %dma_start3A_59 = tpu.memref_slice %arg7[%mul3A_58, %dma_start3A] : memref<10240x64xbf16, #tpu.memory_space<hbm>> -> memref<640x64xbf16, #tpu.memory_space<hbm>>
        %dma_start3A_60 = arith.constant 0 : i32
        %dma_start3A_61 = tpu.memref_slice %arg15[%mul3A_56, %dma_start3A_60] : memref<10240x64xbf16, #tpu.memory_space<vmem_shared>> -> memref<640x64xbf16, #tpu.memory_space<vmem_shared>>
        tpu.enqueue_dma source(%dma_start3A_61 : memref<640x64xbf16, #tpu.memory_space<vmem_shared>>) target(%dma_start3A_59 : memref<640x64xbf16, #tpu.memory_space<hbm>>) target_semaphore(%run_scoped3A : memref<!tpu.dma_semaphore, #tpu.memory_space<semaphore_mem>>)
        %dma_wait3A = arith.constant 0 : i32
        %dma_wait3A_62 = tpu.memref_slice %arg7[%mul3A_58, %dma_wait3A] : memref<10240x64xbf16, #tpu.memory_space<hbm>> -> memref<640x64xbf16, #tpu.memory_space<hbm>>
        %dma_wait3A_63 = arith.constant 0 : i32
        %dma_wait3A_64 = tpu.memref_slice %arg15[%mul3A_56, %dma_wait3A_63] : memref<10240x64xbf16, #tpu.memory_space<vmem_shared>> -> memref<640x64xbf16, #tpu.memory_space<vmem_shared>>
        tpu.wait_dma2 semaphore(%run_scoped3A : memref<!tpu.dma_semaphore, #tpu.memory_space<semaphore_mem>>) src(%dma_wait3A_64 : memref<640x64xbf16, #tpu.memory_space<vmem_shared>>) dst(%dma_wait3A_62 : memref<640x64xbf16, #tpu.memory_space<hbm>>)
        tpu.yield
      }) : () -> ()
    } else {
    }
    %eq3A_50 = arith.constant 1 : i32
    %eq3A_51 = arith.cmpi eq, %arg0, %eq3A_50 : i32
    %convert_element_type3A_52 = arith.extui %eq3A_51 : i1 to i32
    %cond3A_53 = arith.constant 0 : i32
    %cond3A_54 = arith.cmpi ne, %convert_element_type3A_52, %cond3A_53 : i32
    scf.if %cond3A_54 {
      %mul3A_55 = arith.constant 640 : i32
      %mul3A_56 = arith.muli %arg1, %mul3A_55 : i32
      %mul3A_57 = arith.constant 640 : i32
      %mul3A_58 = arith.muli %arg1, %mul3A_57 : i32
      "tpu.region"() ({
        %run_scoped3A = tpu.sem_alloc : memref<!tpu.dma_semaphore, #tpu.memory_space<semaphore_mem>>
        %dma_start3A = arith.constant 0 : i32
        %dma_start3A_59 = tpu.memref_slice %arg8[%mul3A_58, %dma_start3A] : memref<10240x64xbf16, #tpu.memory_space<hbm>> -> memref<640x64xbf16, #tpu.memory_space<hbm>>
        %dma_start3A_60 = arith.constant 0 : i32
        %dma_start3A_61 = tpu.memref_slice %arg15[%mul3A_56, %dma_start3A_60] : memref<10240x64xbf16, #tpu.memory_space<vmem_shared>> -> memref<640x64xbf16, #tpu.memory_space<vmem_shared>>
        tpu.enqueue_dma source(%dma_start3A_61 : memref<640x64xbf16, #tpu.memory_space<vmem_shared>>) target(%dma_start3A_59 : memref<640x64xbf16, #tpu.memory_space<hbm>>) target_semaphore(%run_scoped3A : memref<!tpu.dma_semaphore, #tpu.memory_space<semaphore_mem>>)
        %dma_wait3A = arith.constant 0 : i32
        %dma_wait3A_62 = tpu.memref_slice %arg8[%mul3A_58, %dma_wait3A] : memref<10240x64xbf16, #tpu.memory_space<hbm>> -> memref<640x64xbf16, #tpu.memory_space<hbm>>
        %dma_wait3A_63 = arith.constant 0 : i32
        %dma_wait3A_64 = tpu.memref_slice %arg15[%mul3A_56, %dma_wait3A_63] : memref<10240x64xbf16, #tpu.memory_space<vmem_shared>> -> memref<640x64xbf16, #tpu.memory_space<vmem_shared>>
        tpu.wait_dma2 semaphore(%run_scoped3A : memref<!tpu.dma_semaphore, #tpu.memory_space<semaphore_mem>>) src(%dma_wait3A_64 : memref<640x64xbf16, #tpu.memory_space<vmem_shared>>) dst(%dma_wait3A_62 : memref<640x64xbf16, #tpu.memory_space<hbm>>)
        tpu.yield
      }) : () -> ()
    } else {
    }
    return
  }
}

module attributes {stable_mosaic.version = 14 : i64} {
  func.func @_norm_body(%arg0: i32, %arg1: memref<1x2x80x128xf32, #tpu.memory_space<vmem>>, %arg2: memref<2x80x128xf32, #tpu.memory_space<vmem>>) attributes {dimension_semantics = [#tpu.dimension_semantics<arbitrary>], iteration_bounds = array<i64: 32>, scalar_prefetch = 0 : i64, scratch_operands = 0 : i64, tpu.core_type = #tpu.core_type<tc>, window_params = [{transform_indices = @transform_0, window_bounds = array<i64: 1, 2, 80, 128>}, {pipeline_mode = #tpu.pipeline_mode<synchronous>, transform_indices = @transform_1, window_bounds = array<i64: 2, 80, 128>}]} {
    %eq3A = arith.constant 0 : i32
    %eq3A_0 = arith.cmpi eq, %arg0, %eq3A : i32
    %convert_element_type3A = arith.extui %eq3A_0 : i1 to i32
    %cond3A = arith.constant 0 : i32
    %cond3A_1 = arith.cmpi ne, %convert_element_type3A, %cond3A : i32
    scf.if %cond3A_1 {
      %broadcast_in_dim3A = arith.constant 0.000000e+00 : f32
      %broadcast_in_dim3A_19 = vector.broadcast %broadcast_in_dim3A : f32 to vector<2x80x128xf32>
      %swap3A_20 = arith.constant 0 : index
      %swap3A_21 = arith.constant 0 : index
      %swap3A_22 = arith.constant 0 : index
      %swap3A_23 = vector.load %arg2[%swap3A_20, %swap3A_21, %swap3A_22] : memref<2x80x128xf32, #tpu.memory_space<vmem>>, vector<2x80x128xf32>
      tpu.vector_store %arg2[%swap3A_20, %swap3A_21, %swap3A_22], %broadcast_in_dim3A_19 {strides = array<i32>} : memref<2x80x128xf32, #tpu.memory_space<vmem>>, vector<2x80x128xf32>,
    } else {
    }
    %get3A = arith.constant 0 : index
    %get3A_2 = arith.constant 0 : index
    %get3A_3 = arith.constant 0 : index
    %get3A_4 = vector.load %arg2[%get3A, %get3A_2, %get3A_3] : memref<2x80x128xf32, #tpu.memory_space<vmem>>, vector<2x80x128xf32>
    %get3A_5 = arith.constant 0 : index
    %get3A_6 = arith.constant 0 : index
    %get3A_7 = arith.constant 0 : index
    %get3A_8 = arith.constant 0 : index
    %get3A_9 = vector.load %arg1[%get3A_5, %get3A_6, %get3A_7, %get3A_8] : memref<1x2x80x128xf32, #tpu.memory_space<vmem>>, vector<1x2x80x128xf32>
    %get3A_10 = vector.shape_cast %get3A_9 : vector<1x2x80x128xf32> to vector<2x80x128xf32>
    %add3A = arith.addf %get3A_4, %get3A_10 : vector<2x80x128xf32>
    %swap3A = arith.constant 0 : index
    %swap3A_11 = arith.constant 0 : index
    %swap3A_12 = arith.constant 0 : index
    %swap3A_13 = vector.load %arg2[%swap3A, %swap3A_11, %swap3A_12] : memref<2x80x128xf32, #tpu.memory_space<vmem>>, vector<2x80x128xf32>
    tpu.vector_store %arg2[%swap3A, %swap3A_11, %swap3A_12], %add3A {strides = array<i32>} : memref<2x80x128xf32, #tpu.memory_space<vmem>>, vector<2x80x128xf32>,
    %eq3A_14 = arith.constant 31 : i32
    %eq3A_15 = arith.cmpi eq, %arg0, %eq3A_14 : i32
    %convert_element_type3A_16 = arith.extui %eq3A_15 : i1 to i32
    %cond3A_17 = arith.constant 0 : i32
    %cond3A_18 = arith.cmpi ne, %convert_element_type3A_16, %cond3A_17 : i32
    scf.if %cond3A_18 {
      %get3A_19 = arith.constant 0 : index
      %get3A_20 = arith.constant 0 : index
      %get3A_21 = arith.constant 0 : index
      %get3A_22 = vector.load %arg2[%get3A_19, %get3A_20, %get3A_21] : memref<2x80x128xf32, #tpu.memory_space<vmem>>, vector<2x80x128xf32>
      %max3A = arith.constant 1.000000e+00 : f32
      %max3A_23 = vector.broadcast %max3A : f32 to vector<2x80x128xf32>
      %max3A_24 = arith.maximumf %get3A_22, %max3A_23 : vector<2x80x128xf32>
      %rsqrt3A = math.rsqrt %max3A_24 : vector<2x80x128xf32>
      %swap3A_25 = arith.constant 0 : index
      %swap3A_26 = arith.constant 0 : index
      %swap3A_27 = arith.constant 0 : index
      %swap3A_28 = vector.load %arg2[%swap3A_25, %swap3A_26, %swap3A_27] : memref<2x80x128xf32, #tpu.memory_space<vmem>>, vector<2x80x128xf32>
      tpu.vector_store %arg2[%swap3A_25, %swap3A_26, %swap3A_27], %rsqrt3A {strides = array<i32>} : memref<2x80x128xf32, #tpu.memory_space<vmem>>, vector<2x80x128xf32>,
    } else {
    }
    return
  }
  func.func @transform_0(%arg0: i32) -> (i32, i32, i32, i32) {
    %c0_i32 = arith.constant 0 : i32
    %c0_i32_0 = arith.constant 0 : i32
    %c0_i32_1 = arith.constant 0 : i32
    %c0_i32_2 = arith.constant 0 : i32
    return %arg0, %c0_i32, %c0_i32_0, %c0_i32_1 : i32, i32, i32, i32
  }
  func.func @transform_1(%arg0: i32) -> (i32, i32, i32) {
    %c0_i32 = arith.constant 0 : i32
    %c0_i32_0 = arith.constant 0 : i32
    %c0_i32_1 = arith.constant 0 : i32
    %c0_i32_2 = arith.constant 0 : i32
    return %c0_i32, %c0_i32_0, %c0_i32_1 : i32, i32, i32
  }
}

module attributes {stable_mosaic.version = 14 : i64} {
  func.func @_scale_body(%arg0: i32, %arg1: memref<1024x128xf32, #tpu.memory_space<vmem>>, %arg2: memref<1024x1xf32, #tpu.memory_space<vmem>>, %arg3: memref<1024x64xbf16, #tpu.memory_space<vmem>>, %arg4: memref<1024x64xbf16, #tpu.memory_space<vmem>>) attributes {dimension_semantics = [#tpu.dimension_semantics<arbitrary>], iteration_bounds = array<i64: 10>, scalar_prefetch = 0 : i64, scratch_operands = 0 : i64, tpu.core_type = #tpu.core_type<tc>, window_params = [{transform_indices = @transform_0, window_bounds = array<i64: 1024, 128>}, {transform_indices = @transform_1, window_bounds = array<i64: 1024, 1>}, {transform_indices = @transform_2, window_bounds = array<i64: 1024, 64>}, {transform_indices = @transform_3, window_bounds = array<i64: 1024, 64>}]} {
    %get3A = arith.constant 0 : index
    %get3A_0 = arith.constant 0 : index
    %get3A_1 = vector.load %arg1[%get3A, %get3A_0] : memref<1024x128xf32, #tpu.memory_space<vmem>>, vector<1024x128xf32>
    %get3A_2 = arith.constant 0 : index
    %get3A_3 = arith.constant 0 : index
    %get3A_4 = vector.load %arg2[%get3A_2, %get3A_3] : memref<1024x1xf32, #tpu.memory_space<vmem>>, vector<1024x1xf32>
    %mul3A = vector.broadcast %get3A_4 : vector<1024x1xf32> to vector<1024x128xf32>
    %mul3A_5 = arith.mulf %get3A_1, %mul3A : vector<1024x128xf32>
    %convert_element_type3A = arith.truncf %mul3A_5 : vector<1024x128xf32> to vector<1024x128xbf16>
    %slice3A = vector.extract_strided_slice %convert_element_type3A {offsets = [0, 0], sizes = [1024, 64], strides = [1, 1]} : vector<1024x128xbf16> to vector<1024x64xbf16>
    %swap3A = arith.constant 0 : index
    %swap3A_6 = arith.constant 0 : index
    %swap3A_7 = vector.load %arg3[%swap3A, %swap3A_6] : memref<1024x64xbf16, #tpu.memory_space<vmem>>, vector<1024x64xbf16>
    tpu.vector_store %arg3[%swap3A, %swap3A_6], %slice3A {strides = array<i32>} : memref<1024x64xbf16, #tpu.memory_space<vmem>>, vector<1024x64xbf16>,
    %slice3A_8 = vector.extract_strided_slice %convert_element_type3A {offsets = [0, 64], sizes = [1024, 64], strides = [1, 1]} : vector<1024x128xbf16> to vector<1024x64xbf16>
    %swap3A_9 = arith.constant 0 : index
    %swap3A_10 = arith.constant 0 : index
    %swap3A_11 = vector.load %arg4[%swap3A_9, %swap3A_10] : memref<1024x64xbf16, #tpu.memory_space<vmem>>, vector<1024x64xbf16>
    tpu.vector_store %arg4[%swap3A_9, %swap3A_10], %slice3A_8 {strides = array<i32>} : memref<1024x64xbf16, #tpu.memory_space<vmem>>, vector<1024x64xbf16>,
    return
  }
  func.func @transform_0(%arg0: i32) -> (i32, i32) {
    %c0_i32 = arith.constant 0 : i32
    %c0_i32_0 = arith.constant 0 : i32
    return %arg0, %c0_i32 : i32, i32
  }
  func.func @transform_1(%arg0: i32) -> (i32, i32) {
    %c0_i32 = arith.constant 0 : i32
    %c0_i32_0 = arith.constant 0 : i32
    return %arg0, %c0_i32 : i32, i32
  }
  func.func @transform_2(%arg0: i32) -> (i32, i32) {
    %c0_i32 = arith.constant 0 : i32
    %c0_i32_0 = arith.constant 0 : i32
    return %arg0, %c0_i32 : i32, i32
  }
  func.func @transform_3(%arg0: i32) -> (i32, i32) {
    %c0_i32 = arith.constant 0 : i32
    %c0_i32_0 = arith.constant 0 : i32
    return %arg0, %c0_i32 : i32, i32
  }
}

module attributes {stable_mosaic.version = 14 : i64} {
  func.func @_mid_body(%arg0: i32, %arg1: memref<1024x64xbf16, #tpu.memory_space<vmem>>, %arg2: memref<1024x64xbf16, #tpu.memory_space<vmem>>, %arg3: memref<1024x1xf32, #tpu.memory_space<vmem>>, %arg4: memref<1024x1xf32, #tpu.memory_space<vmem>>, %arg5: memref<1024x128xf32, #tpu.memory_space<vmem>>, %arg6: memref<1024x64xbf16, #tpu.memory_space<vmem>>, %arg7: memref<1024x64xbf16, #tpu.memory_space<vmem>>) attributes {dimension_semantics = [#tpu.dimension_semantics<arbitrary>], iteration_bounds = array<i64: 10>, scalar_prefetch = 0 : i64, scratch_operands = 0 : i64, tpu.core_type = #tpu.core_type<tc>, window_params = [{transform_indices = @transform_0, window_bounds = array<i64: 1024, 64>}, {transform_indices = @transform_1, window_bounds = array<i64: 1024, 64>}, {transform_indices = @transform_2, window_bounds = array<i64: 1024, 1>}, {transform_indices = @transform_3, window_bounds = array<i64: 1024, 1>}, {transform_indices = @transform_4, window_bounds = array<i64: 1024, 128>}, {transform_indices = @transform_5, window_bounds = array<i64: 1024, 64>}, {transform_indices = @transform_6, window_bounds = array<i64: 1024, 64>}]} {
    %get3A = arith.constant 0 : index
    %get3A_0 = arith.constant 0 : index
    %get3A_1 = vector.load %arg1[%get3A, %get3A_0] : memref<1024x64xbf16, #tpu.memory_space<vmem>>, vector<1024x64xbf16>
    %get3A_2 = arith.constant 0 : index
    %get3A_3 = arith.constant 0 : index
    %get3A_4 = vector.load %arg2[%get3A_2, %get3A_3] : memref<1024x64xbf16, #tpu.memory_space<vmem>>, vector<1024x64xbf16>
    %concatenate3A = tpu.concatenate %get3A_1, %get3A_4 in 1 : vector<1024x64xbf16>, vector<1024x64xbf16> -> vector<1024x128xbf16>
    %convert_element_type3A = arith.extf %concatenate3A : vector<1024x128xbf16> to vector<1024x128xf32>
    %get3A_5 = arith.constant 0 : index
    %get3A_6 = arith.constant 0 : index
    %get3A_7 = vector.load %arg3[%get3A_5, %get3A_6] : memref<1024x1xf32, #tpu.memory_space<vmem>>, vector<1024x1xf32>
    %mul3A = vector.broadcast %get3A_7 : vector<1024x1xf32> to vector<1024x128xf32>
    %mul3A_8 = arith.mulf %convert_element_type3A, %mul3A : vector<1024x128xf32>
    %swap3A = arith.constant 0 : index
    %swap3A_9 = arith.constant 0 : index
    %swap3A_10 = vector.load %arg5[%swap3A, %swap3A_9] : memref<1024x128xf32, #tpu.memory_space<vmem>>, vector<1024x128xf32>
    tpu.vector_store %arg5[%swap3A, %swap3A_9], %mul3A_8 {strides = array<i32>} : memref<1024x128xf32, #tpu.memory_space<vmem>>, vector<1024x128xf32>,
    %get3A_11 = arith.constant 0 : index
    %get3A_12 = arith.constant 0 : index
    %get3A_13 = vector.load %arg4[%get3A_11, %get3A_12] : memref<1024x1xf32, #tpu.memory_space<vmem>>, vector<1024x1xf32>
    %mul3A_14 = vector.broadcast %get3A_13 : vector<1024x1xf32> to vector<1024x128xf32>
    %mul3A_15 = arith.mulf %mul3A_8, %mul3A_14 : vector<1024x128xf32>
    %convert_element_type3A_16 = arith.truncf %mul3A_15 : vector<1024x128xf32> to vector<1024x128xbf16>
    %slice3A = vector.extract_strided_slice %convert_element_type3A_16 {offsets = [0, 0], sizes = [1024, 64], strides = [1, 1]} : vector<1024x128xbf16> to vector<1024x64xbf16>
    %swap3A_17 = arith.constant 0 : index
    %swap3A_18 = arith.constant 0 : index
    %swap3A_19 = vector.load %arg6[%swap3A_17, %swap3A_18] : memref<1024x64xbf16, #tpu.memory_space<vmem>>, vector<1024x64xbf16>
    tpu.vector_store %arg6[%swap3A_17, %swap3A_18], %slice3A {strides = array<i32>} : memref<1024x64xbf16, #tpu.memory_space<vmem>>, vector<1024x64xbf16>,
    %slice3A_20 = vector.extract_strided_slice %convert_element_type3A_16 {offsets = [0, 64], sizes = [1024, 64], strides = [1, 1]} : vector<1024x128xbf16> to vector<1024x64xbf16>
    %swap3A_21 = arith.constant 0 : index
    %swap3A_22 = arith.constant 0 : index
    %swap3A_23 = vector.load %arg7[%swap3A_21, %swap3A_22] : memref<1024x64xbf16, #tpu.memory_space<vmem>>, vector<1024x64xbf16>
    tpu.vector_store %arg7[%swap3A_21, %swap3A_22], %slice3A_20 {strides = array<i32>} : memref<1024x64xbf16, #tpu.memory_space<vmem>>, vector<1024x64xbf16>,
    return
  }
  func.func @transform_0(%arg0: i32) -> (i32, i32) {
    %c0_i32 = arith.constant 0 : i32
    %c0_i32_0 = arith.constant 0 : i32
    return %arg0, %c0_i32 : i32, i32
  }
  func.func @transform_1(%arg0: i32) -> (i32, i32) {
    %c0_i32 = arith.constant 0 : i32
    %c0_i32_0 = arith.constant 0 : i32
    return %arg0, %c0_i32 : i32, i32
  }
  func.func @transform_2(%arg0: i32) -> (i32, i32) {
    %c0_i32 = arith.constant 0 : i32
    %c0_i32_0 = arith.constant 0 : i32
    return %arg0, %c0_i32 : i32, i32
  }
  func.func @transform_3(%arg0: i32) -> (i32, i32) {
    %c0_i32 = arith.constant 0 : i32
    %c0_i32_0 = arith.constant 0 : i32
    return %arg0, %c0_i32 : i32, i32
  }
  func.func @transform_4(%arg0: i32) -> (i32, i32) {
    %c0_i32 = arith.constant 0 : i32
    %c0_i32_0 = arith.constant 0 : i32
    return %arg0, %c0_i32 : i32, i32
  }
  func.func @transform_5(%arg0: i32) -> (i32, i32) {
    %c0_i32 = arith.constant 0 : i32
    %c0_i32_0 = arith.constant 0 : i32
    return %arg0, %c0_i32 : i32, i32
  }
  func.func @transform_6(%arg0: i32) -> (i32, i32) {
    %c0_i32 = arith.constant 0 : i32
    %c0_i32_0 = arith.constant 0 : i32
    return %arg0, %c0_i32 : i32, i32
  }
}

module attributes {stable_mosaic.version = 14 : i64} {
  func.func @_final_body(%arg0: i32, %arg1: memref<1024x128xf32, #tpu.memory_space<vmem>>, %arg2: memref<1024x128xf32, #tpu.memory_space<vmem>>, %arg3: memref<1024x64xbf16, #tpu.memory_space<vmem>>, %arg4: memref<1024x64xbf16, #tpu.memory_space<vmem>>, %arg5: memref<1024x1xf32, #tpu.memory_space<vmem>>, %arg6: memref<1024x128xf32, #tpu.memory_space<vmem>>) attributes {dimension_semantics = [#tpu.dimension_semantics<arbitrary>], iteration_bounds = array<i64: 10>, scalar_prefetch = 0 : i64, scratch_operands = 0 : i64, tpu.core_type = #tpu.core_type<tc>, window_params = [{transform_indices = @transform_0, window_bounds = array<i64: 1024, 128>}, {transform_indices = @transform_1, window_bounds = array<i64: 1024, 128>}, {transform_indices = @transform_2, window_bounds = array<i64: 1024, 64>}, {transform_indices = @transform_3, window_bounds = array<i64: 1024, 64>}, {transform_indices = @transform_4, window_bounds = array<i64: 1024, 1>}, {transform_indices = @transform_5, window_bounds = array<i64: 1024, 128>}]} {
    %get3A = arith.constant 0 : index
    %get3A_0 = arith.constant 0 : index
    %get3A_1 = vector.load %arg3[%get3A, %get3A_0] : memref<1024x64xbf16, #tpu.memory_space<vmem>>, vector<1024x64xbf16>
    %get3A_2 = arith.constant 0 : index
    %get3A_3 = arith.constant 0 : index
    %get3A_4 = vector.load %arg4[%get3A_2, %get3A_3] : memref<1024x64xbf16, #tpu.memory_space<vmem>>, vector<1024x64xbf16>
    %concatenate3A = tpu.concatenate %get3A_1, %get3A_4 in 1 : vector<1024x64xbf16>, vector<1024x64xbf16> -> vector<1024x128xbf16>
    %convert_element_type3A = arith.extf %concatenate3A : vector<1024x128xbf16> to vector<1024x128xf32>
    %get3A_5 = arith.constant 0 : index
    %get3A_6 = arith.constant 0 : index
    %get3A_7 = vector.load %arg5[%get3A_5, %get3A_6] : memref<1024x1xf32, #tpu.memory_space<vmem>>, vector<1024x1xf32>
    %mul3A = vector.broadcast %get3A_7 : vector<1024x1xf32> to vector<1024x128xf32>
    %mul3A_8 = arith.mulf %convert_element_type3A, %mul3A : vector<1024x128xf32>
    %get3A_9 = arith.constant 0 : index
    %get3A_10 = arith.constant 0 : index
    %get3A_11 = vector.load %arg1[%get3A_9, %get3A_10] : memref<1024x128xf32, #tpu.memory_space<vmem>>, vector<1024x128xf32>
    %get3A_12 = arith.constant 0 : index
    %get3A_13 = arith.constant 0 : index
    %get3A_14 = vector.load %arg2[%get3A_12, %get3A_13] : memref<1024x128xf32, #tpu.memory_space<vmem>>, vector<1024x128xf32>
    %add3A = arith.addf %get3A_11, %get3A_14 : vector<1024x128xf32>
    %add3A_15 = arith.addf %add3A, %mul3A_8 : vector<1024x128xf32>
    %mul3A_16 = arith.constant 0.333333343 : f32
    %mul3A_17 = vector.broadcast %mul3A_16 : f32 to vector<1024x128xf32>
    %mul3A_18 = arith.mulf %add3A_15, %mul3A_17 : vector<1024x128xf32>
    %swap3A = arith.constant 0 : index
    %swap3A_19 = arith.constant 0 : index
    %swap3A_20 = vector.load %arg6[%swap3A, %swap3A_19] : memref<1024x128xf32, #tpu.memory_space<vmem>>, vector<1024x128xf32>
    tpu.vector_store %arg6[%swap3A, %swap3A_19], %mul3A_18 {strides = array<i32>} : memref<1024x128xf32, #tpu.memory_space<vmem>>, vector<1024x128xf32>,
    return
  }
  func.func @transform_0(%arg0: i32) -> (i32, i32) {
    %c0_i32 = arith.constant 0 : i32
    %c0_i32_0 = arith.constant 0 : i32
    return %arg0, %c0_i32 : i32, i32
  }
  func.func @transform_1(%arg0: i32) -> (i32, i32) {
    %c0_i32 = arith.constant 0 : i32
    %c0_i32_0 = arith.constant 0 : i32
    return %arg0, %c0_i32 : i32, i32
  }
  func.func @transform_2(%arg0: i32) -> (i32, i32) {
    %c0_i32 = arith.constant 0 : i32
    %c0_i32_0 = arith.constant 0 : i32
    return %arg0, %c0_i32 : i32, i32
  }
  func.func @transform_3(%arg0: i32) -> (i32, i32) {
    %c0_i32 = arith.constant 0 : i32
    %c0_i32_0 = arith.constant 0 : i32
    return %arg0, %c0_i32 : i32, i32
  }
  func.func @transform_4(%arg0: i32) -> (i32, i32) {
    %c0_i32 = arith.constant 0 : i32
    %c0_i32_0 = arith.constant 0 : i32
    return %arg0, %c0_i32 : i32, i32
  }
  func.func @transform_5(%arg0: i32) -> (i32, i32) {
    %c0_i32 = arith.constant 0 : i32
    %c0_i32_0 = arith.constant 0 : i32
    return %arg0, %c0_i32 : i32, i32
  }
}

</mosaic_0001>

<sc_bundles>
// kernel: kernel.12.cloned.1.call-start
scs
__scs_entry_jumppad:
0x0: {  	(pc) =	sbr.rel $0x88, $3  }
0x1: {  	(tag) =	ssettag $0x0;
	lr =	simm.s32 $0x1  }
0x2: {  	[smem:$0x3F9E] =	sst lr;
	_ =	strace $0xD0000000  }
0x3: {  	_ = 	snop  }
0x4: {  	_ = 	snop  }
0x5: {  	_ = 	snop  }
0x6: {  	_ = 	snop  }
0x7: {  	_ = 	snop  }
__scs_overlays_trampoline_lowered:
0x8: {  	[smem:$0x3FAD] =	sst s0  }
0x9: {  	[smem:$0x3FAE] =	sst s1  }
0xa: {  	[smem:$0x3FAF] =	sst s2  }
0xb: {  	[smem:$0x3FB0] =	sst s3  }
0xc: {  	[smem:$0x3FB1] =	sst s4  }
0xd: {  	[smem:$0x3FB2] =	sst s5  }
0xe: {  	[smem:$0x3FB3] =	sst s6  }
0xf: {  	[smem:$0x3FB4] =	sst s7  }
0x10: {  	[smem:$0x3FB5] =	sst s8  }
0x11: {  	[smem:$0x3FB6] =	sst s9;
	s0 =	simm.s32 @!p0 $0x0  }
0x12: {  	s1 =	sld [smem:$0x3F9C];
	s0 =	simm.s32 @p0 $0x1  }
0x13: {  	[smem:$0x3FB7] =	sst s0;
	s0 =	simm.s32 @!p1 $0x0  }
0x14: {  	s2 =	sld [smem:$0x3F9B];
	s0 =	simm.s32 @p1 $0x1  }
0x15: {  	[smem:$0x3FB8] =	sst s0;
	s0 =	simm.s32 @!p2 $0x0  }
0x16: {  	s3 =	sld [smem:$0x3FDB];
	s0 =	simm.s32 @p2 $0x1  }
0x17: {  	s4 =	simm.s32 $0x1BF5;
	[smem:$0x3FBA] =	sst s0  }
0x18: {  	s0 =	sld [smem:$0x3F9D];
	_ =	swait.ge [sflag:s4], $0x0  }
0x19: {  	s7 =	sld [smem:$0x3F9E]  }
0x1a: {  	s8 =	sadd.s32 $0xFFFFE003, lr  }
0x1b: {  	s9 =	sadd.s32 $0xFFFFFEF7, lr;
	s5 =	simm.s32 $0xFFFFFFFF;
	p2 =	slt.u32 s8, $0xFFFFF086  }
0x1c: {  	p1 =	slt.u32 s9, $0xF7A;
	s5 =	simm.s32 @!p2 $0x0  }
0x1d: {  	s5 =	simm.s32 @p1 $0x1;
	p0 =	seq.s32 s7, s2  }
0x1e: {  	s7 =	smul.u32 @!p0 $0xF7A, s2;
	p2 =	seq.s32 @!p0 s5, $0x0  }
0x1f: {  	s9 =	smul.u32 $0xF7A, s1;
	s8 =	simm.s32 @!p0 $0x1BF5;
	p2 =	por !p2, p0  }
0x20: {  	[sflag:s8] =	ssyncset.s32 @!p0 $0xFFFFF086;
	s6 =	sadd.s32 @!p0 s3, s7;
	s7 =	simm.s32 @!p0 $0x108  }
0x21: {  	s3 =	sadd.s32 s3, s9;
	s6 =	sadd.s32 @!p0 $0x88, s6;
	s7 =	simm.s32 @p2 $0x1082  }
0x22: {  	[simem:s7], [sflag:s8] =	dma.local @!p0 [hbm:s6], $0xF7A  }
0x23: {  	s9 =	sor.u32 $0xD0000000, s2;
	s6 =	simm.s32 $0x108;
	_ =	swait.ge @!p0 [sflag:s8], $0x0  }
0x24: {  	s3 =	sadd.s32 $0x88, s3;
	s6 =	simm.s32 @!p1 $0x1082;
	[sflag:s4] =	ssyncset.s32 $0xFFFFF086  }
0x25: {  	[simem:s6], [sflag:s4] =	dma.local [hbm:s3], $0xF7A  }
0x26: {  	[smem:$0x3F9E] =	sst s1;
	(tag) =	ssettag s2;
	_ =	strace s9  }
0x27: {  	s1 =	sld [smem:$0x3FAE]  }
0x28: {  	s2 =	sld [smem:$0x3FAF]  }
0x29: {  	s4 =	sld [smem:$0x3FB1]  }
0x2a: {  	p0 =	seq.s32 s5, $0x0;
	s5 =	sld [smem:$0x3FB2]  }
0x2b: {  	s6 =	sld [smem:$0x3FB3]  }
0x2c: {  	s7 =	sld [smem:$0x3FB4]  }
0x2d: {  	s3 =	simm.s32 $0x108;
	s8 =	sld [smem:$0x3FB5]  }
0x2e: {  	s3 =	simm.s32 @!p0 $0x1082;
	s9 =	sld [smem:$0x3FB6]  }
0x2f: {  	lr =	sadd.s32 s0, s3;
	s0 =	sld [smem:$0x3FAD]  }
0x30: {  	s3 =	sld [smem:$0x3FB0]  }
0x31: {  	[smem:$0x3FB9] =	sst s10  }
0x32: {  	s10 =	sld [smem:$0x3FB7];
	_ =	sdelay $0x3  }
0x33: {  	p0 =	seq.s32 s10, $0x1;
	s10 =	sld [smem:$0x3FB9];
	_ =	sdelay $0x3  }
0x34: {  	[smem:$0x3FB9] =	sst s10  }
0x35: {  	s10 =	sld [smem:$0x3FB8];
	_ =	sdelay $0x3  }
0x36: {  	p1 =	seq.s32 s10, $0x1;
	s10 =	sld [smem:$0x3FB9];
	_ =	sdelay $0x3  }
0x37: {  	[smem:$0x3FB9] =	sst s10  }
0x38: {  	s10 =	sld [smem:$0x3FBA]  }
0x39: {  	_ = 	snop;
	(pc) =	sbr.ind lr, $3  }
0x3a: {  	_ = 	snop  }
0x3b: {  	_ = 	snop  }
0x3c: {  	p2 =	seq.s32 s10, $0x1;
	s10 =	sld [smem:$0x3FB9]  }
0x3d: {  	_ =	shalt  }
0x3e: {  	_ =	shalt  }
0x3f: {  	_ =	shalt  }
0x40: {  	_ =	shalt  }
0x41: {  	_ =	shalt  }
0x42: {  	_ =	shalt  }
0x43: {  	_ =	shalt  }
0x44: {  	_ =	shalt  }
0x45: {  	_ =	shalt  }
0x46: {  	_ =	shalt  }
0x47: {  	_ =	shalt  }
0x48: {  	_ =	shalt  }
0x49: {  	_ =	shalt  }
0x4a: {  	_ =	shalt  }
0x4b: {  	_ =	shalt  }
0x4c: {  	_ =	shalt  }
0x4d: {  	_ =	shalt  }
0x4e: {  	_ =	shalt  }
0x4f: {  	_ =	shalt  }
0x50: {  	_ =	shalt  }
0x51: {  	_ =	shalt  }
0x52: {  	_ =	shalt  }
0x53: {  	_ =	shalt  }
0x54: {  	_ =	shalt  }
0x55: {  	_ =	shalt  }
0x56: {  	_ =	shalt  }
0x57: {  	_ =	shalt  }
0x58: {  	_ =	shalt  }
0x59: {  	_ =	shalt  }
0x5a: {  	_ =	shalt  }
0x5b: {  	_ =	shalt  }
0x5c: {  	_ =	shalt  }
0x5d: {  	_ =	shalt  }
0x5e: {  	_ =	shalt  }
0x5f: {  	_ =	shalt  }
0x60: {  	_ =	shalt  }
0x61: {  	_ =	shalt  }
0x62: {  	_ =	shalt  }
0x63: {  	_ =	shalt  }
0x64: {  	_ =	shalt  }
0x65: {  	_ =	shalt  }
0x66: {  	_ =	shalt  }
0x67: {  	_ =	shalt  }
0x68: {  	_ =	shalt  }
0x69: {  	_ =	shalt  }
0x6a: {  	_ =	shalt  }
0x6b: {  	_ =	shalt  }
0x6c: {  	_ =	shalt  }
0x6d: {  	_ =	shalt  }
0x6e: {  	_ =	shalt  }
0x6f: {  	_ =	shalt  }
0x70: {  	_ =	shalt  }
0x71: {  	_ =	shalt  }
0x72: {  	_ =	shalt  }
0x73: {  	_ =	shalt  }
0x74: {  	_ =	shalt  }
0x75: {  	_ =	shalt  }
0x76: {  	_ =	shalt  }
0x77: {  	_ =	shalt  }
0x78: {  	_ =	shalt  }
0x79: {  	_ =	shalt  }
0x7a: {  	_ =	shalt  }
0x7b: {  	_ =	shalt  }
0x7c: {  	_ =	shalt  }
0x7d: {  	_ =	shalt  }
0x7e: {  	_ =	shalt  }
0x7f: {  	_ =	shalt  }
0x80: {  	_ =	shalt  }
0x81: {  	_ =	shalt  }
0x82: {  	_ =	shalt  }
0x83: {  	_ =	shalt  }
0x84: {  	_ =	shalt  }
0x85: {  	_ =	shalt  }
0x86: {  	_ =	shalt  }
0x87: {  	_ =	shalt  }
.Lfunc_end0:
.L_simem_size_0:
called_computation.1_lowered:
.L_overlay_start_0:
0x88: {  	s2 =	sld [smem:$0x3FD9]  }
0x89: {  	s3 =	sld [smem:$0x3FFE];
	_ =	sdelay $0x1  }
0x8a: {  	s1 =	srdreg.scid  }
0x8b: {  	s0 =	sand.u32 $0x1, s1  }
0x8c: {  	s14 =	sshll.u32 s0, $0xA;
	s2 =	sadd.s32 s3, s2  }
0x8d: {  	s2 =	sadd.s32 s2, s14  }
0x8e: {  	[smem:$0x3FC5] =	sst s2  }
0x8f: {  	_ = 	snop  }
0x90: {  	s2 =	sld [smem:$0x3FD0];
	_ =	sdelay $0x2  }
0x91: {  	s15 =	simm.s32 $0xA;
	s4 =	simm.s32 $0x10  }
0x92: {  	[smem:s4], [sflag:s15] =	dma.local [hbm:s2], $0x1  }
0x93: {  	_ =	swait.eq [sflag:s15], $0x1  }
0x94: {  	[sflag:s15] =	ssyncset.done $0x0  }
0x95: {  	s16 =	sld [smem:$0x10];
	[sflag:s15] =	ssyncadd.s32 $0xFFFFFFFF  }
0x96: {  	s17 =	sld [smem:$0x11];
	(tm) =	ssettm $0x1  }
0x97: {  	s18 =	sld [smem:$0x3FFB];
	_ =	sdelay $0x3  }
0x98: {  	_ =	strace s18  }
0x99: {  	s4 =	sld [smem:$0x3FFC];
	_ =	sdelay $0x3  }
0x9a: {  	_ =	strace s4  }
0x9b: {  	s4 =	sld [smem:$0x3FFD];
	_ =	sdelay $0x3  }
0x9c: {  	_ =	strace s4  }
0x9d: {  	_ =	strace $0x8FFFFFFF  }
0x9e: {  	s19 =	sld [smem:$0x3FDB];
	_ =	sdelay $0x1  }
0x9f: {  	s5 =	simm.s32 $_scs_section_size  }
0xa0: {  	s6 =	simm.s32 $_size__tile_overlayer_lowered;
	s7 =	simm.s32 $_tile_overlayer_lowered  }
0xa1: {  	s22 =	simm.s32 $0x1BFF;
	s21 =	sshll.u32 s7, $0x1;
	s4 =	sadd.s32 s5, s19  }
0xa2: {  	s8 =	simm.s32 $0x0;
	s20 =	sshll.u32 s6, $0x1;
	s6 =	sadd.s32 s21, s4  }
0xa3: {  	[timem:s8], [sflag:s22] =	dma.local [hbm:s6], s20  }
0xa4: {  	_ =	swait.ge [sflag:s22], s20  }
0xa5: {  	s5 =	ssub.s32 $0x0, s20;
	[sflag:s22] =	ssyncset.done $0x0  }
0xa6: {  	[sflag:s22] =	ssyncadd.s32 s5;
	_ =	sdelay $0x1  }
0xa7: {  	s23 =	simm.s32 $0x1B8B  }
0xa8: {  	_ =	swait.ge [sflag:s23], $0x1  }
0xa9: {  	[sflag:s23] =	ssyncset.done $0x0  }
0xaa: {  	s25 =	simm.s32 $0x1B8E;
	s24 =	sld [smem:$0x3FFE];
	[sflag:s23] =	ssyncadd.s32 $0xFFFFFFFF  }
0xab: {  	s26 =	simm.s32 $execute0_lowered;
	[smem:$0x3FD2] =	sst s25  }
0xac: {  	s6 =	sshll.u32 s26, $0x1;
	_ =	strace $0x80000049;
	[dreg:$0x1] =	wrdreg $0xFFFFFFFF  }
0xad: {  	s28 =	simm.s32 $_size_execute0_lowered;
	s4 =	sadd.s32 s4, s6;
	[dreg:$0x0] =	wrdreg $0x0  }
0xae: {  	s6 =	sshll.u32 s28, $0x1;
	[dreg:$0x2] =	wrdreg s4  }
0xaf: {  	[dreg:$0x3] =	wrdreg s6  }
0xb0: {  	[dreg:$0x4] =	wrdreg $0xC0  }
0xb1: {  	_ =	task [dreg:s8], $0x5FFFF  }
0xb2: {  	[dreg:$0x1] =	wrdreg $0xFFFFFFFF  }
0xb3: {  	[dreg:$0x0] =	wrdreg $0x60  }
0xb4: {  	[dreg:$0x2] =	wrdreg s16  }
0xb5: {  	[dreg:$0x3] =	wrdreg s17  }
0xb6: {  	[dreg:$0x4] =	wrdreg s24  }
0xb7: {  	[dreg:$0x5] =	wrdreg $0x120000  }
0xb8: {  	[dreg:$0x6] =	wrdreg $0x9  }
0xb9: {  	_ =	task.clear_ibuf [dreg:s8], $0x7FFFF;
	_ =	strace $0x90000049  }
0xba: {  	s29 =	simm.s32 $0x9;
	_ =	strace $0x8000004B  }
0xbb: {  	_ =	swait.ge [sflag:s29], $0x1  }
0xbc: {  	[sflag:s29] =	ssyncadd.s32 $0xFFFFFFFF  }
0xbd: {  	_ =	strace $0x9000004B  }
0xbe: {  	_ =	sfence  }
0xbf: {  	s30 =	sld [smem:$0x0];
	_ =	sdelay $0x2  }
0xc0: {  	s31 =	sshll.u32 s1, $0xD;
	s1 =	sshrl.u32 s1, $0x2  }
0xc1: {  	s3 =	sand.u32 $0x4000, s31;
	s1 =	sadd.s32 s1, s30  }
0xc2: {  	s0 =	sor.u32 s3, s0;
	s1 =	sshll.u32 s1, $0x11  }
0xc3: {  	s0 =	sor.u32 s1, s0  }
0xc4: {  	s0 =	sadd.s32 $0x8F2B, s0  }
0xc5: {  	[sflag:s0] =	ssyncadd.remote.s32 $0x1  }
0xc6: {  	_ =	sfence.sel $0xFFFF  }
0xc7: {  	[dreg:$0x0] =	wrdreg $0xFFFFFFFF;
	(pc) =	sbr.abs _section_cstart, $3  }
0xc8: {  	[dreg:$0x1] =	wrdreg $0xFFFFFFFF  }
0xc9: {  	_ =	task.clear_ibuf [dreg:s8], $0x2FFFF;
	_ =	strace $0x9FFFFFFF  }
0xca: {  	(tm) =	ssettm $0x7FFFFFFF  }
0xcb: {  	_ =	shalt  }
tec
execute0_lowered:
.L_overlay_start_1:
0x0: {  	(tag) =	ssettag $0x1  }
0x1: {  	s2 =	rddreg [dreg:$0x0]  }
0x2: {  	s3 =	rddreg [dreg:$0x1]  }
0x3: {  	s8 =	rddreg [dreg:$0x2]  }
0x4: {  	s4 =	rddreg [dreg:$0x3]  }
0x5: {  	s0 =	stileid.u32;
	s5 =	simm.s32 $0x0;
	s7 =	srdreg.scid  }
0x6: {  	s17 =	simm.s32 $0x100;
	s18 =	simm.s32 $0xA000;
	s19 =	simm.s32 $0xC000  }
0x7: {  	s20 =	simm.s32 $0x200;
	s21 =	simm.s32 $0xE000;
	s22 =	simm.s32 $0x300  }
0x8: {  	s23 =	simm.s32 $0x10000;
	s24 =	simm.s32 $0x1;
	s25 =	simm.s32 $0x3  }
0x9: {  	s26 =	simm.s32 $0x4;
	s28 =	simm.s32 $0x0;
	s6 =	smul.u32 $0xA00, s0  }
0xa: {  	[smem:$0x7FF] =	sst s5;
	s11 =	smul.u32 $0xA000, s0;
	s13 =	sadd.s32 $0x2000, s8  }
0xb: {  	s14 =	sadd.s32 $0x48E00, s8;
	s31 =	sshll.u32 s0, $0x6;
	_ =	strace $0x8000004A  }
0xc: {  	s10 =	sadd.s32 s6, s8;
	s6 =	sand.u32 $0x1, s7;
	s7 =	sadd.s32 $0x20400, s8  }
0xd: {  	s30 =	sshrl.u32 s11, $0x1;
	s8 =	sor.u32 $0x1C05, s31;
	s16 =	sshrl.u32 s11, $0x4  }
.Ltmp0:
0xe: {  	s11 =	smov.u32 s3;
	s9 =	ssub.s32 $0x2, s6;
	(pc) =	sbr.rel .LBB2_1-.Ltmp0, $4  }
0xf: {  	s15 =	sadd.s32 s30, s4;
	p0 =	seq.s32 s6, $0x0;
	s29 =	sshrl.u32 s9, $0x1  }
0x10: {  	s11 =	smov.u32 @p0 s2;
	s14 =	smov.u32 @p0 s13;
	s12 =	ssub.s32 s9, s29  }
0x11: {  	s9 =	sadd.s32 $0x16400, s10;
	s10 =	sadd.s32 $0xC400, s10;
	s13 =	sadd.s32 s14, s16  }
0x12: {  	s14 =	sshrl.u32 s15, $0x3;
	s15 =	simm.s32 $0x5;
	s12 =	smax.u32 s12, $0x1  }
.LBB2_4:
0x13: {  	_ =	swait.ge [sflag:s26], $0x2000  }
0x14: {  	[sflag:s26] =	ssyncset.done $0x0  }
0x15: {  	[sflag:s26] =	ssyncadd.s32 $0xFFFFE000  }
0x16: {  	[spmem:s4] =	stream.indirect.scatter.add.bf16 [tilespmem:s23], [sflag:$0x5], $0x20, s31, s17, $0xb8;
	[tilespmem:$0x17000] =	vst v63  }
0x17: {  	_ =	swait.ge [sflag:s15], $0x2000  }
0x18: {  	s28 =	sadd.s32 $0x1, s28;
	[sflag:s15] =	ssyncset.done $0x0  }
0x19: {  	p0 =	sne.s32 s28, s12;
	[sflag:s15] =	ssyncadd.s32 $0xFFFFE000  }
.Ltmp1:
0x1a: {  	[bflag:$0x0] =	sbarrier.arrive $0xFFFF;
	(pc) =	sbr.rel @!p0 .LBB2_5-.Ltmp1, $4  }
0x1b: {  	[hbm:s13], [sflag:s8] =	dma.local [spmem:s14], $0xA00  }
0x1c: {  	_ =	swait.ge [sflag:s15], $0xA00  }
0x1d: {  	[sflag:s15] =	ssyncset.done $0x0  }
0x1e: {  	[sflag:s15] =	ssyncadd.s32 $0xFFFFF600  }
.LBB2_1:
0x1f: {  	[spmem:s14], [sflag:s8] =	dma.local [hbm:s7], $0xA00  }
0x20: {  	_ =	swait.ge [sflag:s15], $0xA00  }
0x21: {  	[sflag:s15] =	ssyncset.done $0x0  }
0x22: {  	[sflag:s15] =	ssyncadd.s32 $0xFFFFF600  }
0x23: {  	[tilespmem:s5], [sflag:$0x5] =	stream.linear.gather [hbm4b:s9+s5], $0x5000, $0x38;
	[tilespmem:$0x17000] =	vst v63  }
0x24: {  	_ =	swait.ge [sflag:s15], $0x5000  }
0x25: {  	[sflag:s15] =	ssyncset.done $0x0  }
0x26: {  	s0 =	simm.s32 $0x5000;
	[sflag:s15] =	ssyncadd.s32 $0xFFFFB000  }
0x27: {  	[tilespmem:s0], [sflag:$0x5] =	stream.linear.gather [hbm4b:s10+s5], $0x5000, $0x38;
	[tilespmem:$0x17000] =	vst v63  }
0x28: {  	_ =	swait.ge [sflag:s15], $0x5000  }
0x29: {  	[sflag:s15] =	ssyncset.done $0x0  }
0x2a: {  	[sflag:s15] =	ssyncadd.s32 $0xFFFFB000  }
0x2b: {  	[bflag:$0x0] =	sbarrier.arrive $0xFFFF  }
0x2c: {  	[tilespmem:s18], [sflag:$0x1] =	stream.indirect.gather [hbm4b:s11+s17], $0x20, s5, s17, $0xb8;
	[tilespmem:$0x17000] =	vst v63  }
0x2d: {  	_ = 	snop  }
0x2e: {  	[tilespmem:s19], [sflag:$0x2] =	stream.indirect.gather [hbm4b:s11+s17], $0x20, s17, s17, $0xb8;
	[tilespmem:$0x17000] =	vst v63  }
0x2f: {  	_ = 	snop  }
0x30: {  	[tilespmem:s21], [sflag:$0x3] =	stream.indirect.gather [hbm4b:s11+s17], $0x20, s20, s17, $0xb8;
	[tilespmem:$0x17000] =	vst v63  }
0x31: {  	s29 =	simm.s32 $0x0  }
0x32: {  	[tilespmem:s23], [sflag:$0x4] =	stream.indirect.gather [hbm4b:s11+s17], $0x20, s22, s17, $0xb8;
	[tilespmem:$0x17000] =	vst v63  }
.LBB2_2:
0x33: {  	_ =	swait.ge [sflag:s24], $0x2000  }
0x34: {  	s30 =	sshra.s32 s29, $0x2;
	[sflag:s24] =	ssyncset.done $0x0  }
0x35: {  	s31 =	sadd.s32 $0x5000, s30;
	[sflag:s24] =	ssyncadd.s32 $0xFFFFE000  }
0x36: {  	[spmem:s4] =	stream.indirect.scatter.add.bf16 [tilespmem:s18], [sflag:$0x5], $0x20, s31, s17, $0xb8;
	[tilespmem:$0x17000] =	vst v63  }
0x37: {  	_ =	swait.ge [sflag:s15], $0x2000  }
0x38: {  	p0 =	seq.s32 s29, $0x13000;
	[sflag:s15] =	ssyncset.done $0x0  }
0x39: {  	s31 =	simm.s32 @p0 $0x2;
	[sflag:s15] =	ssyncadd.s32 $0xFFFFE000  }
0x3a: {  	_ =	swait.ge @p0 [sflag:s31], $0x2000  }
0x3b: {  	[sflag:s31] =	ssyncset.done @p0 $0x0  }
0x3c: {  	[sflag:s31] =	ssyncadd.s32 @p0 $0xFFFFE000;
	s31 =	sshra.s32 @p0 s29, $0x2  }
0x3d: {  	s0 =	simm.s32 @p0 $0x100;
	s1 =	simm.s32 @p0 $0xC000;
	s31 =	sadd.s32 @p0 $0x5100, s31  }
0x3e: {  	[spmem:s4] =	stream.indirect.scatter.add.bf16 @p0 [tilespmem:s1], [sflag:$0x5], $0x20, s31, s0, $0xb8;
	[tilespmem:$0x17000] =	vst v63  }
0x3f: {  	s0 =	simm.s32 @p0 $0x5  }
0x40: {  	_ =	swait.ge @p0 [sflag:s0], $0x2000  }
0x41: {  	[sflag:s0] =	ssyncset.done @p0 $0x0  }
0x42: {  	[sflag:s0] =	ssyncadd.s32 @p0 $0xFFFFE000;
	s0 =	sshra.s32 @!p0 s29, $0x2  }
0x43: {  	s16 =	simm.s32 @!p0 $0xA000;
	s31 =	simm.s32 @!p0 $0x100;
	s1 =	sadd.s32 @!p0 $0x400, s0  }
0x44: {  	[tilespmem:s16], [sflag:$0x1] =	stream.indirect.gather @!p0 [hbm4b:s11+s31], $0x20, s1, s31, $0xb8;
	[tilespmem:$0x17000] =	vst v63  }
0x45: {  	s1 =	simm.s32 @!p0 $0x2  }
0x46: {  	_ =	swait.ge @!p0 [sflag:s1], $0x2000  }
0x47: {  	[sflag:s1] =	ssyncset.done @!p0 $0x0  }
0x48: {  	s16 =	simm.s32 @!p0 $0xC000;
	[sflag:s1] =	ssyncadd.s32 @!p0 $0xFFFFE000;
	s1 =	sadd.s32 @!p0 $0x5100, s0  }
0x49: {  	[spmem:s4] =	stream.indirect.scatter.add.bf16 @!p0 [tilespmem:s16], [sflag:$0x5], $0x20, s1, s31, $0xb8;
	[tilespmem:$0x17000] =	vst v63  }
0x4a: {  	p1 =	sne.s32 @!p0 s6, $0x0;
	s1 =	simm.s32 @!p0 $0x5  }
0x4b: {  	p2 =	por !p1, p0;
	_ =	swait.ge @!p0 [sflag:s1], $0x2000  }
0x4c: {  	p1 =	por p1, p0;
	s0 =	sadd.s32 @!p0 $0x500, s0;
	[sflag:s1] =	ssyncset.done @!p0 $0x0  }
0x4d: {  	s16 =	simm.s32 @!p2 $0xC000;
	[sflag:s1] =	ssyncadd.s32 @!p0 $0xFFFFE000;
	s1 =	simm.s32 @!p2 $0x100  }
0x4e: {  	[tilespmem:s16], [sflag:$0x2] =	stream.indirect.gather @!p2 [hbm4b:s3+s1], $0x20, s0, s1, $0xb8;
	[tilespmem:$0x17000] =	vst v63  }
0x4f: {  	s1 =	simm.s32 @!p1 $0x100;
	s16 =	simm.s32 @!p1 $0xC000  }
0x50: {  	[tilespmem:s16], [sflag:$0x2] =	stream.indirect.gather @!p1 [hbm4b:s2+s1], $0x20, s0, s1, $0xb8;
	[tilespmem:$0x17000] =	vst v63  }
0x51: {  	_ =	swait.ge [sflag:s25], $0x2000  }
0x52: {  	[sflag:s25] =	ssyncset.done $0x0  }
.Ltmp2:
0x53: {  	s16 =	sadd.s32 $0x5200, s30;
	[sflag:s25] =	ssyncadd.s32 $0xFFFFE000;
	(pc) =	sbr.rel @p0 .LBB2_4-.Ltmp2, $4  }
0x54: {  	[spmem:s4] =	stream.indirect.scatter.add.bf16 [tilespmem:s21], [sflag:$0x5], $0x20, s16, s17, $0xb8;
	[tilespmem:$0x17000] =	vst v63  }
0x55: {  	_ =	swait.ge [sflag:s15], $0x2000  }
0x56: {  	[sflag:s15] =	ssyncset.done $0x0  }
0x57: {  	s31 =	sadd.s32 $0x5300, s30;
	[sflag:s15] =	ssyncadd.s32 $0xFFFFE000  }
0x58: {  	s0 =	sadd.s32 $0x600, s30  }
0x59: {  	[tilespmem:s21], [sflag:$0x3] =	stream.indirect.gather [hbm4b:s11+s17], $0x20, s0, s17, $0xb8;
	[tilespmem:$0x17000] =	vst v63  }
0x5a: {  	_ =	swait.ge [sflag:s26], $0x2000  }
0x5b: {  	[sflag:s26] =	ssyncset.done $0x0  }
0x5c: {  	[sflag:s26] =	ssyncadd.s32 $0xFFFFE000  }
0x5d: {  	[spmem:s4] =	stream.indirect.scatter.add.bf16 [tilespmem:s23], [sflag:$0x5], $0x20, s31, s17, $0xb8;
	[tilespmem:$0x17000] =	vst v63  }
.Ltmp3:
0x5e: {  	_ = 	snop;
	(pc) =	sbr.rel .LBB2_2-.Ltmp3, $4  }
0x5f: {  	_ =	swait.ge [sflag:s15], $0x2000  }
0x60: {  	[sflag:s15] =	ssyncset.done $0x0  }
0x61: {  	s29 =	sadd.s32 $0x1000, s29;
	s31 =	sadd.s32 $0x700, s30;
	[sflag:s15] =	ssyncadd.s32 $0xFFFFE000  }
0x62: {  	[tilespmem:s23], [sflag:$0x4] =	stream.indirect.gather [hbm4b:s11+s17], $0x20, s31, s17, $0xb8;
	[tilespmem:$0x17000] =	vst v63  }
.LBB2_5:
0x63: {  	_ =	sfence.sel $0x180000  }
0x64: {  	[bflag:$0x0] =	sbarrier.arrive $0xFFFF  }
0x65: {  	_ =	strace $0x9000004A  }
0x66: {  	s0 =	stileid.u32;
	[bflag:$0x2] =	sbarrier.arrive $0xFFFF  }
0x67: {  	p0 =	sne.s32 s0, $0x0;
	s0 =	rddreg [dreg:$0x4]  }
0x68: {  	s0 =	sadd.s32 @!p0 $0x100000, s0  }
0x69: {  	[sflag:s0] =	ssyncadd.tile.s32 @!p0 $0x1;
	_ =	shalt  }
.Lfunc_end2:
_tile_overlayer_lowered:
.L_overlay_start_2:
0x6a: {  	(tag) =	ssettag $0x2  }
0x6b: {  	s0 =	rddreg [dreg:$0x0];
	s2 =	stileid.u32  }
0x6c: {  	s1 =	rddreg [dreg:$0x1];
	p0 =	sne.s32 s2, $0x0  }
0x6d: {  	s3 =	rddreg [dreg:$0x2];
	[bflag:$0x3] =	sbarrier.arrive $0xFFFF;
	s2 =	simm.s32 @!p0 $0x1C05  }
0x6e: {  	[timem:s3], [sflag:s2] =	dma.local @!p0 [hbm:s0], s1  }
0x6f: {  	s0 =	simm.s32 @!p0 $0x5  }
0x70: {  	_ =	swait.ge @!p0 [sflag:s0], s1  }
0x71: {  	s1 =	ssub.s32 @!p0 $0x0, s1;
	[sflag:s0] =	ssyncset.done @!p0 $0x0  }
0x72: {  	[sflag:s0] =	ssyncadd.s32 @!p0 s1  }
0x73: {  	[bflag:$0x3] =	sbarrier.arrive $0xFFFF  }
0x74: {  	_ =	shalt  }

// kernel: kernel.15.cloned.1.call-start
scs
__scs_entry_jumppad:
0x0: {  	(pc) =	sbr.rel $0x88, $3  }
0x1: {  	(tag) =	ssettag $0x0;
	lr =	simm.s32 $0x1  }
0x2: {  	[smem:$0x3F9E] =	sst lr;
	_ =	strace $0xD0000000  }
0x3: {  	_ = 	snop  }
0x4: {  	_ = 	snop  }
0x5: {  	_ = 	snop  }
0x6: {  	_ = 	snop  }
0x7: {  	_ = 	snop  }
__scs_overlays_trampoline_lowered:
0x8: {  	[smem:$0x3FAD] =	sst s0  }
0x9: {  	[smem:$0x3FAE] =	sst s1  }
0xa: {  	[smem:$0x3FAF] =	sst s2  }
0xb: {  	[smem:$0x3FB0] =	sst s3  }
0xc: {  	[smem:$0x3FB1] =	sst s4  }
0xd: {  	[smem:$0x3FB2] =	sst s5  }
0xe: {  	[smem:$0x3FB3] =	sst s6  }
0xf: {  	[smem:$0x3FB4] =	sst s7  }
0x10: {  	[smem:$0x3FB5] =	sst s8  }
0x11: {  	[smem:$0x3FB6] =	sst s9;
	s0 =	simm.s32 @!p0 $0x0  }
0x12: {  	s1 =	sld [smem:$0x3F9C];
	s0 =	simm.s32 @p0 $0x1  }
0x13: {  	[smem:$0x3FB7] =	sst s0;
	s0 =	simm.s32 @!p1 $0x0  }
0x14: {  	s2 =	sld [smem:$0x3F9B];
	s0 =	simm.s32 @p1 $0x1  }
0x15: {  	[smem:$0x3FB8] =	sst s0;
	s0 =	simm.s32 @!p2 $0x0  }
0x16: {  	s3 =	sld [smem:$0x3FDB];
	s0 =	simm.s32 @p2 $0x1  }
0x17: {  	s4 =	simm.s32 $0x1BF5;
	[smem:$0x3FBA] =	sst s0  }
0x18: {  	s0 =	sld [smem:$0x3F9D];
	_ =	swait.ge [sflag:s4], $0x0  }
0x19: {  	s7 =	sld [smem:$0x3F9E]  }
0x1a: {  	s8 =	sadd.s32 $0xFFFFE003, lr  }
0x1b: {  	s9 =	sadd.s32 $0xFFFFFEF7, lr;
	s5 =	simm.s32 $0xFFFFFFFF;
	p2 =	slt.u32 s8, $0xFFFFF086  }
0x1c: {  	p1 =	slt.u32 s9, $0xF7A;
	s5 =	simm.s32 @!p2 $0x0  }
0x1d: {  	s5 =	simm.s32 @p1 $0x1;
	p0 =	seq.s32 s7, s2  }
0x1e: {  	s7 =	smul.u32 @!p0 $0xF7A, s2;
	p2 =	seq.s32 @!p0 s5, $0x0  }
0x1f: {  	s9 =	smul.u32 $0xF7A, s1;
	s8 =	simm.s32 @!p0 $0x1BF5;
	p2 =	por !p2, p0  }
0x20: {  	[sflag:s8] =	ssyncset.s32 @!p0 $0xFFFFF086;
	s6 =	sadd.s32 @!p0 s3, s7;
	s7 =	simm.s32 @!p0 $0x108  }
0x21: {  	s3 =	sadd.s32 s3, s9;
	s6 =	sadd.s32 @!p0 $0x88, s6;
	s7 =	simm.s32 @p2 $0x1082  }
0x22: {  	[simem:s7], [sflag:s8] =	dma.local @!p0 [hbm:s6], $0xF7A  }
0x23: {  	s9 =	sor.u32 $0xD0000000, s2;
	s6 =	simm.s32 $0x108;
	_ =	swait.ge @!p0 [sflag:s8], $0x0  }
0x24: {  	s3 =	sadd.s32 $0x88, s3;
	s6 =	simm.s32 @!p1 $0x1082;
	[sflag:s4] =	ssyncset.s32 $0xFFFFF086  }
0x25: {  	[simem:s6], [sflag:s4] =	dma.local [hbm:s3], $0xF7A  }
0x26: {  	[smem:$0x3F9E] =	sst s1;
	(tag) =	ssettag s2;
	_ =	strace s9  }
0x27: {  	s1 =	sld [smem:$0x3FAE]  }
0x28: {  	s2 =	sld [smem:$0x3FAF]  }
0x29: {  	s4 =	sld [smem:$0x3FB1]  }
0x2a: {  	p0 =	seq.s32 s5, $0x0;
	s5 =	sld [smem:$0x3FB2]  }
0x2b: {  	s6 =	sld [smem:$0x3FB3]  }
0x2c: {  	s7 =	sld [smem:$0x3FB4]  }
0x2d: {  	s3 =	simm.s32 $0x108;
	s8 =	sld [smem:$0x3FB5]  }
0x2e: {  	s3 =	simm.s32 @!p0 $0x1082;
	s9 =	sld [smem:$0x3FB6]  }
0x2f: {  	lr =	sadd.s32 s0, s3;
	s0 =	sld [smem:$0x3FAD]  }
0x30: {  	s3 =	sld [smem:$0x3FB0]  }
0x31: {  	[smem:$0x3FB9] =	sst s10  }
0x32: {  	s10 =	sld [smem:$0x3FB7];
	_ =	sdelay $0x3  }
0x33: {  	p0 =	seq.s32 s10, $0x1;
	s10 =	sld [smem:$0x3FB9];
	_ =	sdelay $0x3  }
0x34: {  	[smem:$0x3FB9] =	sst s10  }
0x35: {  	s10 =	sld [smem:$0x3FB8];
	_ =	sdelay $0x3  }
0x36: {  	p1 =	seq.s32 s10, $0x1;
	s10 =	sld [smem:$0x3FB9];
	_ =	sdelay $0x3  }
0x37: {  	[smem:$0x3FB9] =	sst s10  }
0x38: {  	s10 =	sld [smem:$0x3FBA]  }
0x39: {  	_ = 	snop;
	(pc) =	sbr.ind lr, $3  }
0x3a: {  	_ = 	snop  }
0x3b: {  	_ = 	snop  }
0x3c: {  	p2 =	seq.s32 s10, $0x1;
	s10 =	sld [smem:$0x3FB9]  }
0x3d: {  	_ =	shalt  }
0x3e: {  	_ =	shalt  }
0x3f: {  	_ =	shalt  }
0x40: {  	_ =	shalt  }
0x41: {  	_ =	shalt  }
0x42: {  	_ =	shalt  }
0x43: {  	_ =	shalt  }
0x44: {  	_ =	shalt  }
0x45: {  	_ =	shalt  }
0x46: {  	_ =	shalt  }
0x47: {  	_ =	shalt  }
0x48: {  	_ =	shalt  }
0x49: {  	_ =	shalt  }
0x4a: {  	_ =	shalt  }
0x4b: {  	_ =	shalt  }
0x4c: {  	_ =	shalt  }
0x4d: {  	_ =	shalt  }
0x4e: {  	_ =	shalt  }
0x4f: {  	_ =	shalt  }
0x50: {  	_ =	shalt  }
0x51: {  	_ =	shalt  }
0x52: {  	_ =	shalt  }
0x53: {  	_ =	shalt  }
0x54: {  	_ =	shalt  }
0x55: {  	_ =	shalt  }
0x56: {  	_ =	shalt  }
0x57: {  	_ =	shalt  }
0x58: {  	_ =	shalt  }
0x59: {  	_ =	shalt  }
0x5a: {  	_ =	shalt  }
0x5b: {  	_ =	shalt  }
0x5c: {  	_ =	shalt  }
0x5d: {  	_ =	shalt  }
0x5e: {  	_ =	shalt  }
0x5f: {  	_ =	shalt  }
0x60: {  	_ =	shalt  }
0x61: {  	_ =	shalt  }
0x62: {  	_ =	shalt  }
0x63: {  	_ =	shalt  }
0x64: {  	_ =	shalt  }
0x65: {  	_ =	shalt  }
0x66: {  	_ =	shalt  }
0x67: {  	_ =	shalt  }
0x68: {  	_ =	shalt  }
0x69: {  	_ =	shalt  }
0x6a: {  	_ =	shalt  }
0x6b: {  	_ =	shalt  }
0x6c: {  	_ =	shalt  }
0x6d: {  	_ =	shalt  }
0x6e: {  	_ =	shalt  }
0x6f: {  	_ =	shalt  }
0x70: {  	_ =	shalt  }
0x71: {  	_ =	shalt  }
0x72: {  	_ =	shalt  }
0x73: {  	_ =	shalt  }
0x74: {  	_ =	shalt  }
0x75: {  	_ =	shalt  }
0x76: {  	_ =	shalt  }
0x77: {  	_ =	shalt  }
0x78: {  	_ =	shalt  }
0x79: {  	_ =	shalt  }
0x7a: {  	_ =	shalt  }
0x7b: {  	_ =	shalt  }
0x7c: {  	_ =	shalt  }
0x7d: {  	_ =	shalt  }
0x7e: {  	_ =	shalt  }
0x7f: {  	_ =	shalt  }
0x80: {  	_ =	shalt  }
0x81: {  	_ =	shalt  }
0x82: {  	_ =	shalt  }
0x83: {  	_ =	shalt  }
0x84: {  	_ =	shalt  }
0x85: {  	_ =	shalt  }
0x86: {  	_ =	shalt  }
0x87: {  	_ =	shalt  }
.Lfunc_end0:
.L_simem_size_0:
called_computation.2_lowered:
.L_overlay_start_0:
0x88: {  	s2 =	sld [smem:$0x3FD9]  }
0x89: {  	s3 =	sld [smem:$0x3FFE];
	_ =	sdelay $0x1  }
0x8a: {  	s1 =	srdreg.scid  }
0x8b: {  	s0 =	sand.u32 $0x1, s1  }
0x8c: {  	s14 =	sshll.u32 s0, $0xA;
	s2 =	sadd.s32 s3, s2  }
0x8d: {  	s2 =	sadd.s32 s2, s14  }
0x8e: {  	[smem:$0x3FC5] =	sst s2  }
0x8f: {  	_ = 	snop  }
0x90: {  	s2 =	sld [smem:$0x3FD0];
	_ =	sdelay $0x2  }
0x91: {  	s15 =	simm.s32 $0xA;
	s4 =	simm.s32 $0x10  }
0x92: {  	[smem:s4], [sflag:s15] =	dma.local [hbm:s2], $0x1  }
0x93: {  	_ =	swait.eq [sflag:s15], $0x1  }
0x94: {  	[sflag:s15] =	ssyncset.done $0x0  }
0x95: {  	s16 =	sld [smem:$0x10];
	[sflag:s15] =	ssyncadd.s32 $0xFFFFFFFF  }
0x96: {  	s17 =	sld [smem:$0x11];
	(tm) =	ssettm $0x1  }
0x97: {  	s18 =	sld [smem:$0x3FFB];
	_ =	sdelay $0x3  }
0x98: {  	_ =	strace s18  }
0x99: {  	s4 =	sld [smem:$0x3FFC];
	_ =	sdelay $0x3  }
0x9a: {  	_ =	strace s4  }
0x9b: {  	s4 =	sld [smem:$0x3FFD];
	_ =	sdelay $0x3  }
0x9c: {  	_ =	strace s4  }
0x9d: {  	_ =	strace $0x8FFFFFFF  }
0x9e: {  	s19 =	sld [smem:$0x3FDB];
	_ =	sdelay $0x1  }
0x9f: {  	s5 =	simm.s32 $_scs_section_size  }
0xa0: {  	s6 =	simm.s32 $_size__tile_overlayer_lowered;
	s7 =	simm.s32 $_tile_overlayer_lowered  }
0xa1: {  	s22 =	simm.s32 $0x1BFF;
	s21 =	sshll.u32 s7, $0x1;
	s4 =	sadd.s32 s5, s19  }
0xa2: {  	s8 =	simm.s32 $0x0;
	s20 =	sshll.u32 s6, $0x1;
	s6 =	sadd.s32 s21, s4  }
0xa3: {  	[timem:s8], [sflag:s22] =	dma.local [hbm:s6], s20  }
0xa4: {  	_ =	swait.ge [sflag:s22], s20  }
0xa5: {  	s5 =	ssub.s32 $0x0, s20;
	[sflag:s22] =	ssyncset.done $0x0  }
0xa6: {  	[sflag:s22] =	ssyncadd.s32 s5;
	_ =	sdelay $0x1  }
0xa7: {  	s23 =	simm.s32 $0x1B8B  }
0xa8: {  	_ =	swait.ge [sflag:s23], $0x1  }
0xa9: {  	[sflag:s23] =	ssyncset.done $0x0  }
0xaa: {  	s25 =	simm.s32 $0x1B8E;
	s24 =	sld [smem:$0x3FFE];
	[sflag:s23] =	ssyncadd.s32 $0xFFFFFFFF  }
0xab: {  	s26 =	simm.s32 $execute0_lowered;
	[smem:$0x3FD2] =	sst s25  }
0xac: {  	s6 =	sshll.u32 s26, $0x1;
	_ =	strace $0x8000004C;
	[dreg:$0x1] =	wrdreg $0xFFFFFFFF  }
0xad: {  	s28 =	simm.s32 $_size_execute0_lowered;
	s4 =	sadd.s32 s4, s6;
	[dreg:$0x0] =	wrdreg $0x0  }
0xae: {  	s6 =	sshll.u32 s28, $0x1;
	[dreg:$0x2] =	wrdreg s4  }
0xaf: {  	[dreg:$0x3] =	wrdreg s6  }
0xb0: {  	[dreg:$0x4] =	wrdreg $0xC0  }
0xb1: {  	_ =	task [dreg:s8], $0x5FFFF  }
0xb2: {  	[dreg:$0x1] =	wrdreg $0xFFFFFFFF  }
0xb3: {  	[dreg:$0x0] =	wrdreg $0x60  }
0xb4: {  	[dreg:$0x2] =	wrdreg s16  }
0xb5: {  	[dreg:$0x3] =	wrdreg s17  }
0xb6: {  	[dreg:$0x4] =	wrdreg s24  }
0xb7: {  	[dreg:$0x5] =	wrdreg $0x120000  }
0xb8: {  	[dreg:$0x6] =	wrdreg $0x9  }
0xb9: {  	_ =	task.clear_ibuf [dreg:s8], $0x7FFFF;
	_ =	strace $0x9000004C  }
0xba: {  	s29 =	simm.s32 $0x9;
	_ =	strace $0x8000004E  }
0xbb: {  	_ =	swait.ge [sflag:s29], $0x1  }
0xbc: {  	[sflag:s29] =	ssyncadd.s32 $0xFFFFFFFF  }
0xbd: {  	_ =	strace $0x9000004E  }
0xbe: {  	_ =	sfence  }
0xbf: {  	s30 =	sld [smem:$0x0];
	_ =	sdelay $0x2  }
0xc0: {  	s31 =	sshll.u32 s1, $0xD;
	s1 =	sshrl.u32 s1, $0x2  }
0xc1: {  	s3 =	sand.u32 $0x4000, s31;
	s1 =	sadd.s32 s1, s30  }
0xc2: {  	s0 =	sor.u32 s3, s0;
	s1 =	sshll.u32 s1, $0x11  }
0xc3: {  	s0 =	sor.u32 s1, s0  }
0xc4: {  	s0 =	sadd.s32 $0x8F2B, s0  }
0xc5: {  	[sflag:s0] =	ssyncadd.remote.s32 $0x1  }
0xc6: {  	_ =	sfence.sel $0xFFFF  }
0xc7: {  	[dreg:$0x0] =	wrdreg $0xFFFFFFFF;
	(pc) =	sbr.abs _section_cstart, $3  }
0xc8: {  	[dreg:$0x1] =	wrdreg $0xFFFFFFFF  }
0xc9: {  	_ =	task.clear_ibuf [dreg:s8], $0x2FFFF;
	_ =	strace $0x9FFFFFFF  }
0xca: {  	(tm) =	ssettm $0x7FFFFFFF  }
0xcb: {  	_ =	shalt  }
tec
execute0_lowered:
.L_overlay_start_1:
0x0: {  	(tag) =	ssettag $0x1  }
0x1: {  	s2 =	rddreg [dreg:$0x0]  }
0x2: {  	s3 =	rddreg [dreg:$0x1]  }
0x3: {  	s8 =	rddreg [dreg:$0x2]  }
0x4: {  	s4 =	rddreg [dreg:$0x3]  }
0x5: {  	s0 =	stileid.u32;
	s5 =	simm.s32 $0x0;
	s7 =	srdreg.scid  }
0x6: {  	s17 =	simm.s32 $0x100;
	s18 =	simm.s32 $0xA000;
	s19 =	simm.s32 $0xC000  }
0x7: {  	s20 =	simm.s32 $0x200;
	s21 =	simm.s32 $0xE000;
	s22 =	simm.s32 $0x300  }
0x8: {  	s23 =	simm.s32 $0x10000;
	s24 =	simm.s32 $0x1;
	s25 =	simm.s32 $0x3  }
0x9: {  	s26 =	simm.s32 $0x4;
	s28 =	simm.s32 $0x0;
	s6 =	smul.u32 $0xA00, s0  }
0xa: {  	[smem:$0x7FF] =	sst s5;
	s11 =	smul.u32 $0xA000, s0;
	s13 =	sadd.s32 $0x2000, s8  }
0xb: {  	s14 =	sadd.s32 $0x20E00, s8;
	s31 =	sshll.u32 s0, $0x6;
	_ =	strace $0x8000004D  }
0xc: {  	s10 =	sadd.s32 s6, s8;
	s6 =	sand.u32 $0x1, s7;
	s7 =	sadd.s32 $0x20400, s8  }
0xd: {  	s30 =	sshrl.u32 s11, $0x1;
	s8 =	sor.u32 $0x1C05, s31;
	s16 =	sshrl.u32 s11, $0x4  }
.Ltmp0:
0xe: {  	s11 =	smov.u32 s3;
	s9 =	ssub.s32 $0x2, s6;
	(pc) =	sbr.rel .LBB2_1-.Ltmp0, $4  }
0xf: {  	s15 =	sadd.s32 s30, s4;
	p0 =	seq.s32 s6, $0x0;
	s29 =	sshrl.u32 s9, $0x1  }
0x10: {  	s11 =	smov.u32 @p0 s2;
	s14 =	smov.u32 @p0 s13;
	s12 =	ssub.s32 s9, s29  }
0x11: {  	s9 =	sadd.s32 $0x16400, s10;
	s10 =	sadd.s32 $0xC400, s10;
	s13 =	sadd.s32 s14, s16  }
0x12: {  	s14 =	sshrl.u32 s15, $0x3;
	s15 =	simm.s32 $0x5;
	s12 =	smax.u32 s12, $0x1  }
.LBB2_4:
0x13: {  	_ =	swait.ge [sflag:s26], $0x2000  }
0x14: {  	[sflag:s26] =	ssyncset.done $0x0  }
0x15: {  	[sflag:s26] =	ssyncadd.s32 $0xFFFFE000  }
0x16: {  	[spmem:s4] =	stream.indirect.scatter.add.bf16 [tilespmem:s23], [sflag:$0x5], $0x20, s31, s17, $0xb8;
	[tilespmem:$0x17000] =	vst v63  }
0x17: {  	_ =	swait.ge [sflag:s15], $0x2000  }
0x18: {  	s28 =	sadd.s32 $0x1, s28;
	[sflag:s15] =	ssyncset.done $0x0  }
0x19: {  	p0 =	sne.s32 s28, s12;
	[sflag:s15] =	ssyncadd.s32 $0xFFFFE000  }
.Ltmp1:
0x1a: {  	[bflag:$0x0] =	sbarrier.arrive $0xFFFF;
	(pc) =	sbr.rel @!p0 .LBB2_5-.Ltmp1, $4  }
0x1b: {  	[hbm:s13], [sflag:s8] =	dma.local [spmem:s14], $0xA00  }
0x1c: {  	_ =	swait.ge [sflag:s15], $0xA00  }
0x1d: {  	[sflag:s15] =	ssyncset.done $0x0  }
0x1e: {  	[sflag:s15] =	ssyncadd.s32 $0xFFFFF600  }
.LBB2_1:
0x1f: {  	[spmem:s14], [sflag:s8] =	dma.local [hbm:s7], $0xA00  }
0x20: {  	_ =	swait.ge [sflag:s15], $0xA00  }
0x21: {  	[sflag:s15] =	ssyncset.done $0x0  }
0x22: {  	[sflag:s15] =	ssyncadd.s32 $0xFFFFF600  }
0x23: {  	[tilespmem:s5], [sflag:$0x5] =	stream.linear.gather [hbm4b:s9+s5], $0x5000, $0x38;
	[tilespmem:$0x17000] =	vst v63  }
0x24: {  	_ =	swait.ge [sflag:s15], $0x5000  }
0x25: {  	[sflag:s15] =	ssyncset.done $0x0  }
0x26: {  	s0 =	simm.s32 $0x5000;
	[sflag:s15] =	ssyncadd.s32 $0xFFFFB000  }
0x27: {  	[tilespmem:s0], [sflag:$0x5] =	stream.linear.gather [hbm4b:s10+s5], $0x5000, $0x38;
	[tilespmem:$0x17000] =	vst v63  }
0x28: {  	_ =	swait.ge [sflag:s15], $0x5000  }
0x29: {  	[sflag:s15] =	ssyncset.done $0x0  }
0x2a: {  	[sflag:s15] =	ssyncadd.s32 $0xFFFFB000  }
0x2b: {  	[bflag:$0x0] =	sbarrier.arrive $0xFFFF  }
0x2c: {  	[tilespmem:s18], [sflag:$0x1] =	stream.indirect.gather [hbm4b:s11+s17], $0x20, s5, s17, $0xb8;
	[tilespmem:$0x17000] =	vst v63  }
0x2d: {  	_ = 	snop  }
0x2e: {  	[tilespmem:s19], [sflag:$0x2] =	stream.indirect.gather [hbm4b:s11+s17], $0x20, s17, s17, $0xb8;
	[tilespmem:$0x17000] =	vst v63  }
0x2f: {  	_ = 	snop  }
0x30: {  	[tilespmem:s21], [sflag:$0x3] =	stream.indirect.gather [hbm4b:s11+s17], $0x20, s20, s17, $0xb8;
	[tilespmem:$0x17000] =	vst v63  }
0x31: {  	s29 =	simm.s32 $0x0  }
0x32: {  	[tilespmem:s23], [sflag:$0x4] =	stream.indirect.gather [hbm4b:s11+s17], $0x20, s22, s17, $0xb8;
	[tilespmem:$0x17000] =	vst v63  }
.LBB2_2:
0x33: {  	_ =	swait.ge [sflag:s24], $0x2000  }
0x34: {  	s30 =	sshra.s32 s29, $0x2;
	[sflag:s24] =	ssyncset.done $0x0  }
0x35: {  	s31 =	sadd.s32 $0x5000, s30;
	[sflag:s24] =	ssyncadd.s32 $0xFFFFE000  }
0x36: {  	[spmem:s4] =	stream.indirect.scatter.add.bf16 [tilespmem:s18], [sflag:$0x5], $0x20, s31, s17, $0xb8;
	[tilespmem:$0x17000] =	vst v63  }
0x37: {  	_ =	swait.ge [sflag:s15], $0x2000  }
0x38: {  	p0 =	seq.s32 s29, $0x13000;
	[sflag:s15] =	ssyncset.done $0x0  }
0x39: {  	s31 =	simm.s32 @p0 $0x2;
	[sflag:s15] =	ssyncadd.s32 $0xFFFFE000  }
0x3a: {  	_ =	swait.ge @p0 [sflag:s31], $0x2000  }
0x3b: {  	[sflag:s31] =	ssyncset.done @p0 $0x0  }
0x3c: {  	[sflag:s31] =	ssyncadd.s32 @p0 $0xFFFFE000;
	s31 =	sshra.s32 @p0 s29, $0x2  }
0x3d: {  	s0 =	simm.s32 @p0 $0x100;
	s1 =	simm.s32 @p0 $0xC000;
	s31 =	sadd.s32 @p0 $0x5100, s31  }
0x3e: {  	[spmem:s4] =	stream.indirect.scatter.add.bf16 @p0 [tilespmem:s1], [sflag:$0x5], $0x20, s31, s0, $0xb8;
	[tilespmem:$0x17000] =	vst v63  }
0x3f: {  	s0 =	simm.s32 @p0 $0x5  }
0x40: {  	_ =	swait.ge @p0 [sflag:s0], $0x2000  }
0x41: {  	[sflag:s0] =	ssyncset.done @p0 $0x0  }
0x42: {  	[sflag:s0] =	ssyncadd.s32 @p0 $0xFFFFE000;
	s0 =	sshra.s32 @!p0 s29, $0x2  }
0x43: {  	s16 =	simm.s32 @!p0 $0xA000;
	s31 =	simm.s32 @!p0 $0x100;
	s1 =	sadd.s32 @!p0 $0x400, s0  }
0x44: {  	[tilespmem:s16], [sflag:$0x1] =	stream.indirect.gather @!p0 [hbm4b:s11+s31], $0x20, s1, s31, $0xb8;
	[tilespmem:$0x17000] =	vst v63  }
0x45: {  	s1 =	simm.s32 @!p0 $0x2  }
0x46: {  	_ =	swait.ge @!p0 [sflag:s1], $0x2000  }
0x47: {  	[sflag:s1] =	ssyncset.done @!p0 $0x0  }
0x48: {  	s16 =	simm.s32 @!p0 $0xC000;
	[sflag:s1] =	ssyncadd.s32 @!p0 $0xFFFFE000;
	s1 =	sadd.s32 @!p0 $0x5100, s0  }
0x49: {  	[spmem:s4] =	stream.indirect.scatter.add.bf16 @!p0 [tilespmem:s16], [sflag:$0x5], $0x20, s1, s31, $0xb8;
	[tilespmem:$0x17000] =	vst v63  }
0x4a: {  	p1 =	sne.s32 @!p0 s6, $0x0;
	s1 =	simm.s32 @!p0 $0x5  }
0x4b: {  	p2 =	por !p1, p0;
	_ =	swait.ge @!p0 [sflag:s1], $0x2000  }
0x4c: {  	p1 =	por p1, p0;
	s0 =	sadd.s32 @!p0 $0x500, s0;
	[sflag:s1] =	ssyncset.done @!p0 $0x0  }
0x4d: {  	s16 =	simm.s32 @!p2 $0xC000;
	[sflag:s1] =	ssyncadd.s32 @!p0 $0xFFFFE000;
	s1 =	simm.s32 @!p2 $0x100  }
0x4e: {  	[tilespmem:s16], [sflag:$0x2] =	stream.indirect.gather @!p2 [hbm4b:s3+s1], $0x20, s0, s1, $0xb8;
	[tilespmem:$0x17000] =	vst v63  }
0x4f: {  	s1 =	simm.s32 @!p1 $0x100;
	s16 =	simm.s32 @!p1 $0xC000  }
0x50: {  	[tilespmem:s16], [sflag:$0x2] =	stream.indirect.gather @!p1 [hbm4b:s2+s1], $0x20, s0, s1, $0xb8;
	[tilespmem:$0x17000] =	vst v63  }
0x51: {  	_ =	swait.ge [sflag:s25], $0x2000  }
0x52: {  	[sflag:s25] =	ssyncset.done $0x0  }
.Ltmp2:
0x53: {  	s16 =	sadd.s32 $0x5200, s30;
	[sflag:s25] =	ssyncadd.s32 $0xFFFFE000;
	(pc) =	sbr.rel @p0 .LBB2_4-.Ltmp2, $4  }
0x54: {  	[spmem:s4] =	stream.indirect.scatter.add.bf16 [tilespmem:s21], [sflag:$0x5], $0x20, s16, s17, $0xb8;
	[tilespmem:$0x17000] =	vst v63  }
0x55: {  	_ =	swait.ge [sflag:s15], $0x2000  }
0x56: {  	[sflag:s15] =	ssyncset.done $0x0  }
0x57: {  	s31 =	sadd.s32 $0x5300, s30;
	[sflag:s15] =	ssyncadd.s32 $0xFFFFE000  }
0x58: {  	s0 =	sadd.s32 $0x600, s30  }
0x59: {  	[tilespmem:s21], [sflag:$0x3] =	stream.indirect.gather [hbm4b:s11+s17], $0x20, s0, s17, $0xb8;
	[tilespmem:$0x17000] =	vst v63  }
0x5a: {  	_ =	swait.ge [sflag:s26], $0x2000  }
0x5b: {  	[sflag:s26] =	ssyncset.done $0x0  }
0x5c: {  	[sflag:s26] =	ssyncadd.s32 $0xFFFFE000  }
0x5d: {  	[spmem:s4] =	stream.indirect.scatter.add.bf16 [tilespmem:s23], [sflag:$0x5], $0x20, s31, s17, $0xb8;
	[tilespmem:$0x17000] =	vst v63  }
.Ltmp3:
0x5e: {  	_ = 	snop;
	(pc) =	sbr.rel .LBB2_2-.Ltmp3, $4  }
0x5f: {  	_ =	swait.ge [sflag:s15], $0x2000  }
0x60: {  	[sflag:s15] =	ssyncset.done $0x0  }
0x61: {  	s29 =	sadd.s32 $0x1000, s29;
	s31 =	sadd.s32 $0x700, s30;
	[sflag:s15] =	ssyncadd.s32 $0xFFFFE000  }
0x62: {  	[tilespmem:s23], [sflag:$0x4] =	stream.indirect.gather [hbm4b:s11+s17], $0x20, s31, s17, $0xb8;
	[tilespmem:$0x17000] =	vst v63  }
.LBB2_5:
0x63: {  	_ =	sfence.sel $0x180000  }
0x64: {  	[bflag:$0x0] =	sbarrier.arrive $0xFFFF  }
0x65: {  	_ =	strace $0x9000004D  }
0x66: {  	s0 =	stileid.u32;
	[bflag:$0x2] =	sbarrier.arrive $0xFFFF  }
0x67: {  	p0 =	sne.s32 s0, $0x0;
	s0 =	rddreg [dreg:$0x4]  }
0x68: {  	s0 =	sadd.s32 @!p0 $0x100000, s0  }
0x69: {  	[sflag:s0] =	ssyncadd.tile.s32 @!p0 $0x1;
	_ =	shalt  }
.Lfunc_end2:
_tile_overlayer_lowered:
.L_overlay_start_2:
0x6a: {  	(tag) =	ssettag $0x2  }
0x6b: {  	s0 =	rddreg [dreg:$0x0];
	s2 =	stileid.u32  }
0x6c: {  	s1 =	rddreg [dreg:$0x1];
	p0 =	sne.s32 s2, $0x0  }
0x6d: {  	s3 =	rddreg [dreg:$0x2];
	[bflag:$0x3] =	sbarrier.arrive $0xFFFF;
	s2 =	simm.s32 @!p0 $0x1C05  }
0x6e: {  	[timem:s3], [sflag:s2] =	dma.local @!p0 [hbm:s0], s1  }
0x6f: {  	s0 =	simm.s32 @!p0 $0x5  }
0x70: {  	_ =	swait.ge @!p0 [sflag:s0], s1  }
0x71: {  	s1 =	ssub.s32 @!p0 $0x0, s1;
	[sflag:s0] =	ssyncset.done @!p0 $0x0  }
0x72: {  	[sflag:s0] =	ssyncadd.s32 @!p0 s1  }
0x73: {  	[bflag:$0x3] =	sbarrier.arrive $0xFFFF  }
0x74: {  	_ =	shalt  }

// kernel: kernel.9.cloned.1.call-start
scs
__scs_entry_jumppad:
0x0: {  	(pc) =	sbr.rel $0x88, $3  }
0x1: {  	(tag) =	ssettag $0x0;
	lr =	simm.s32 $0x1  }
0x2: {  	[smem:$0x3F9E] =	sst lr;
	_ =	strace $0xD0000000  }
0x3: {  	_ = 	snop  }
0x4: {  	_ = 	snop  }
0x5: {  	_ = 	snop  }
0x6: {  	_ = 	snop  }
0x7: {  	_ = 	snop  }
__scs_overlays_trampoline_lowered:
0x8: {  	[smem:$0x3FAD] =	sst s0  }
0x9: {  	[smem:$0x3FAE] =	sst s1  }
0xa: {  	[smem:$0x3FAF] =	sst s2  }
0xb: {  	[smem:$0x3FB0] =	sst s3  }
0xc: {  	[smem:$0x3FB1] =	sst s4  }
0xd: {  	[smem:$0x3FB2] =	sst s5  }
0xe: {  	[smem:$0x3FB3] =	sst s6  }
0xf: {  	[smem:$0x3FB4] =	sst s7  }
0x10: {  	[smem:$0x3FB5] =	sst s8  }
0x11: {  	[smem:$0x3FB6] =	sst s9;
	s0 =	simm.s32 @!p0 $0x0  }
0x12: {  	s1 =	sld [smem:$0x3F9C];
	s0 =	simm.s32 @p0 $0x1  }
0x13: {  	[smem:$0x3FB7] =	sst s0;
	s0 =	simm.s32 @!p1 $0x0  }
0x14: {  	s2 =	sld [smem:$0x3F9B];
	s0 =	simm.s32 @p1 $0x1  }
0x15: {  	[smem:$0x3FB8] =	sst s0;
	s0 =	simm.s32 @!p2 $0x0  }
0x16: {  	s3 =	sld [smem:$0x3FDB];
	s0 =	simm.s32 @p2 $0x1  }
0x17: {  	s4 =	simm.s32 $0x1BF5;
	[smem:$0x3FBA] =	sst s0  }
0x18: {  	s0 =	sld [smem:$0x3F9D];
	_ =	swait.ge [sflag:s4], $0x0  }
0x19: {  	s7 =	sld [smem:$0x3F9E]  }
0x1a: {  	s8 =	sadd.s32 $0xFFFFE003, lr  }
0x1b: {  	s9 =	sadd.s32 $0xFFFFFEF7, lr;
	s5 =	simm.s32 $0xFFFFFFFF;
	p2 =	slt.u32 s8, $0xFFFFF086  }
0x1c: {  	p1 =	slt.u32 s9, $0xF7A;
	s5 =	simm.s32 @!p2 $0x0  }
0x1d: {  	s5 =	simm.s32 @p1 $0x1;
	p0 =	seq.s32 s7, s2  }
0x1e: {  	s7 =	smul.u32 @!p0 $0xF7A, s2;
	p2 =	seq.s32 @!p0 s5, $0x0  }
0x1f: {  	s9 =	smul.u32 $0xF7A, s1;
	s8 =	simm.s32 @!p0 $0x1BF5;
	p2 =	por !p2, p0  }
0x20: {  	[sflag:s8] =	ssyncset.s32 @!p0 $0xFFFFF086;
	s6 =	sadd.s32 @!p0 s3, s7;
	s7 =	simm.s32 @!p0 $0x108  }
0x21: {  	s3 =	sadd.s32 s3, s9;
	s6 =	sadd.s32 @!p0 $0x88, s6;
	s7 =	simm.s32 @p2 $0x1082  }
0x22: {  	[simem:s7], [sflag:s8] =	dma.local @!p0 [hbm:s6], $0xF7A  }
0x23: {  	s9 =	sor.u32 $0xD0000000, s2;
	s6 =	simm.s32 $0x108;
	_ =	swait.ge @!p0 [sflag:s8], $0x0  }
0x24: {  	s3 =	sadd.s32 $0x88, s3;
	s6 =	simm.s32 @!p1 $0x1082;
	[sflag:s4] =	ssyncset.s32 $0xFFFFF086  }
0x25: {  	[simem:s6], [sflag:s4] =	dma.local [hbm:s3], $0xF7A  }
0x26: {  	[smem:$0x3F9E] =	sst s1;
	(tag) =	ssettag s2;
	_ =	strace s9  }
0x27: {  	s1 =	sld [smem:$0x3FAE]  }
0x28: {  	s2 =	sld [smem:$0x3FAF]  }
0x29: {  	s4 =	sld [smem:$0x3FB1]  }
0x2a: {  	p0 =	seq.s32 s5, $0x0;
	s5 =	sld [smem:$0x3FB2]  }
0x2b: {  	s6 =	sld [smem:$0x3FB3]  }
0x2c: {  	s7 =	sld [smem:$0x3FB4]  }
0x2d: {  	s3 =	simm.s32 $0x108;
	s8 =	sld [smem:$0x3FB5]  }
0x2e: {  	s3 =	simm.s32 @!p0 $0x1082;
	s9 =	sld [smem:$0x3FB6]  }
0x2f: {  	lr =	sadd.s32 s0, s3;
	s0 =	sld [smem:$0x3FAD]  }
0x30: {  	s3 =	sld [smem:$0x3FB0]  }
0x31: {  	[smem:$0x3FB9] =	sst s10  }
0x32: {  	s10 =	sld [smem:$0x3FB7];
	_ =	sdelay $0x3  }
0x33: {  	p0 =	seq.s32 s10, $0x1;
	s10 =	sld [smem:$0x3FB9];
	_ =	sdelay $0x3  }
0x34: {  	[smem:$0x3FB9] =	sst s10  }
0x35: {  	s10 =	sld [smem:$0x3FB8];
	_ =	sdelay $0x3  }
0x36: {  	p1 =	seq.s32 s10, $0x1;
	s10 =	sld [smem:$0x3FB9];
	_ =	sdelay $0x3  }
0x37: {  	[smem:$0x3FB9] =	sst s10  }
0x38: {  	s10 =	sld [smem:$0x3FBA]  }
0x39: {  	_ = 	snop;
	(pc) =	sbr.ind lr, $3  }
0x3a: {  	_ = 	snop  }
0x3b: {  	_ = 	snop  }
0x3c: {  	p2 =	seq.s32 s10, $0x1;
	s10 =	sld [smem:$0x3FB9]  }
0x3d: {  	_ =	shalt  }
0x3e: {  	_ =	shalt  }
0x3f: {  	_ =	shalt  }
0x40: {  	_ =	shalt  }
0x41: {  	_ =	shalt  }
0x42: {  	_ =	shalt  }
0x43: {  	_ =	shalt  }
0x44: {  	_ =	shalt  }
0x45: {  	_ =	shalt  }
0x46: {  	_ =	shalt  }
0x47: {  	_ =	shalt  }
0x48: {  	_ =	shalt  }
0x49: {  	_ =	shalt  }
0x4a: {  	_ =	shalt  }
0x4b: {  	_ =	shalt  }
0x4c: {  	_ =	shalt  }
0x4d: {  	_ =	shalt  }
0x4e: {  	_ =	shalt  }
0x4f: {  	_ =	shalt  }
0x50: {  	_ =	shalt  }
0x51: {  	_ =	shalt  }
0x52: {  	_ =	shalt  }
0x53: {  	_ =	shalt  }
0x54: {  	_ =	shalt  }
0x55: {  	_ =	shalt  }
0x56: {  	_ =	shalt  }
0x57: {  	_ =	shalt  }
0x58: {  	_ =	shalt  }
0x59: {  	_ =	shalt  }
0x5a: {  	_ =	shalt  }
0x5b: {  	_ =	shalt  }
0x5c: {  	_ =	shalt  }
0x5d: {  	_ =	shalt  }
0x5e: {  	_ =	shalt  }
0x5f: {  	_ =	shalt  }
0x60: {  	_ =	shalt  }
0x61: {  	_ =	shalt  }
0x62: {  	_ =	shalt  }
0x63: {  	_ =	shalt  }
0x64: {  	_ =	shalt  }
0x65: {  	_ =	shalt  }
0x66: {  	_ =	shalt  }
0x67: {  	_ =	shalt  }
0x68: {  	_ =	shalt  }
0x69: {  	_ =	shalt  }
0x6a: {  	_ =	shalt  }
0x6b: {  	_ =	shalt  }
0x6c: {  	_ =	shalt  }
0x6d: {  	_ =	shalt  }
0x6e: {  	_ =	shalt  }
0x6f: {  	_ =	shalt  }
0x70: {  	_ =	shalt  }
0x71: {  	_ =	shalt  }
0x72: {  	_ =	shalt  }
0x73: {  	_ =	shalt  }
0x74: {  	_ =	shalt  }
0x75: {  	_ =	shalt  }
0x76: {  	_ =	shalt  }
0x77: {  	_ =	shalt  }
0x78: {  	_ =	shalt  }
0x79: {  	_ =	shalt  }
0x7a: {  	_ =	shalt  }
0x7b: {  	_ =	shalt  }
0x7c: {  	_ =	shalt  }
0x7d: {  	_ =	shalt  }
0x7e: {  	_ =	shalt  }
0x7f: {  	_ =	shalt  }
0x80: {  	_ =	shalt  }
0x81: {  	_ =	shalt  }
0x82: {  	_ =	shalt  }
0x83: {  	_ =	shalt  }
0x84: {  	_ =	shalt  }
0x85: {  	_ =	shalt  }
0x86: {  	_ =	shalt  }
0x87: {  	_ =	shalt  }
.Lfunc_end0:
.L_simem_size_0:
called_computation_lowered:
.L_overlay_start_0:
0x88: {  	s2 =	sld [smem:$0x3FD9]  }
0x89: {  	s3 =	sld [smem:$0x3FFE];
	_ =	sdelay $0x1  }
0x8a: {  	s1 =	srdreg.scid  }
0x8b: {  	s0 =	sand.u32 $0x1, s1  }
0x8c: {  	s14 =	sshll.u32 s0, $0xA;
	s2 =	sadd.s32 s3, s2  }
0x8d: {  	s2 =	sadd.s32 s2, s14  }
0x8e: {  	[smem:$0x3FC5] =	sst s2  }
0x8f: {  	_ = 	snop  }
0x90: {  	s2 =	sld [smem:$0x3FD0];
	_ =	sdelay $0x2  }
0x91: {  	s15 =	simm.s32 $0xA;
	s4 =	simm.s32 $0x10  }
0x92: {  	[smem:s4], [sflag:s15] =	dma.local [hbm:s2], $0x1  }
0x93: {  	_ =	swait.eq [sflag:s15], $0x1  }
0x94: {  	[sflag:s15] =	ssyncset.done $0x0  }
0x95: {  	s16 =	sld [smem:$0x10];
	[sflag:s15] =	ssyncadd.s32 $0xFFFFFFFF  }
0x96: {  	s17 =	sld [smem:$0x11];
	(tm) =	ssettm $0x1  }
0x97: {  	s18 =	sld [smem:$0x3FFB];
	_ =	sdelay $0x3  }
0x98: {  	_ =	strace s18  }
0x99: {  	s4 =	sld [smem:$0x3FFC];
	_ =	sdelay $0x3  }
0x9a: {  	_ =	strace s4  }
0x9b: {  	s4 =	sld [smem:$0x3FFD];
	_ =	sdelay $0x3  }
0x9c: {  	_ =	strace s4  }
0x9d: {  	_ =	strace $0x8FFFFFFF  }
0x9e: {  	s19 =	sld [smem:$0x3FDB];
	_ =	sdelay $0x1  }
0x9f: {  	s5 =	simm.s32 $_scs_section_size  }
0xa0: {  	s6 =	simm.s32 $_size__tile_overlayer_lowered;
	s7 =	simm.s32 $_tile_overlayer_lowered  }
0xa1: {  	s22 =	simm.s32 $0x1BFF;
	s21 =	sshll.u32 s7, $0x1;
	s4 =	sadd.s32 s5, s19  }
0xa2: {  	s8 =	simm.s32 $0x0;
	s20 =	sshll.u32 s6, $0x1;
	s6 =	sadd.s32 s21, s4  }
0xa3: {  	[timem:s8], [sflag:s22] =	dma.local [hbm:s6], s20  }
0xa4: {  	_ =	swait.ge [sflag:s22], s20  }
0xa5: {  	s5 =	ssub.s32 $0x0, s20;
	[sflag:s22] =	ssyncset.done $0x0  }
0xa6: {  	[sflag:s22] =	ssyncadd.s32 s5;
	_ =	sdelay $0x1  }
0xa7: {  	s23 =	simm.s32 $0x1B8B  }
0xa8: {  	_ =	swait.ge [sflag:s23], $0x1  }
0xa9: {  	[sflag:s23] =	ssyncset.done $0x0  }
0xaa: {  	s25 =	simm.s32 $0x1B8E;
	s24 =	sld [smem:$0x3FFE];
	[sflag:s23] =	ssyncadd.s32 $0xFFFFFFFF  }
0xab: {  	s26 =	simm.s32 $execute0_lowered;
	[smem:$0x3FD2] =	sst s25  }
0xac: {  	s6 =	sshll.u32 s26, $0x1;
	_ =	strace $0x80000046;
	[dreg:$0x1] =	wrdreg $0xFFFFFFFF  }
0xad: {  	s28 =	simm.s32 $_size_execute0_lowered;
	s4 =	sadd.s32 s4, s6;
	[dreg:$0x0] =	wrdreg $0x0  }
0xae: {  	s6 =	sshll.u32 s28, $0x1;
	[dreg:$0x2] =	wrdreg s4  }
0xaf: {  	[dreg:$0x3] =	wrdreg s6  }
0xb0: {  	[dreg:$0x4] =	wrdreg $0xC0  }
0xb1: {  	_ =	task [dreg:s8], $0x5FFFF  }
0xb2: {  	[dreg:$0x1] =	wrdreg $0xFFFFFFFF  }
0xb3: {  	[dreg:$0x0] =	wrdreg $0x60  }
0xb4: {  	[dreg:$0x2] =	wrdreg s24  }
0xb5: {  	[dreg:$0x3] =	wrdreg s16  }
0xb6: {  	[dreg:$0x4] =	wrdreg s17  }
0xb7: {  	[dreg:$0x5] =	wrdreg $0x9  }
0xb8: {  	_ =	task.clear_ibuf [dreg:s8], $0x6FFFF;
	_ =	strace $0x90000046  }
0xb9: {  	s29 =	simm.s32 $0x9;
	_ =	strace $0x80000048  }
0xba: {  	_ =	swait.ge [sflag:s29], $0x1  }
0xbb: {  	[sflag:s29] =	ssyncadd.s32 $0xFFFFFFFF  }
0xbc: {  	_ =	strace $0x90000048  }
0xbd: {  	_ =	sfence  }
0xbe: {  	s30 =	sld [smem:$0x0];
	_ =	sdelay $0x2  }
0xbf: {  	s31 =	sshll.u32 s1, $0xD;
	s1 =	sshrl.u32 s1, $0x2  }
0xc0: {  	s3 =	sand.u32 $0x4000, s31;
	s1 =	sadd.s32 s1, s30  }
0xc1: {  	s0 =	sor.u32 s3, s0;
	s1 =	sshll.u32 s1, $0x11  }
0xc2: {  	s0 =	sor.u32 s1, s0  }
0xc3: {  	s0 =	sadd.s32 $0x8F2B, s0  }
0xc4: {  	[sflag:s0] =	ssyncadd.remote.s32 $0x1  }
0xc5: {  	_ =	sfence.sel $0xFFFF  }
0xc6: {  	[dreg:$0x0] =	wrdreg $0xFFFFFFFF;
	(pc) =	sbr.abs _section_cstart, $3  }
0xc7: {  	[dreg:$0x1] =	wrdreg $0xFFFFFFFF  }
0xc8: {  	_ =	task.clear_ibuf [dreg:s8], $0x2FFFF;
	_ =	strace $0x9FFFFFFF  }
0xc9: {  	(tm) =	ssettm $0x7FFFFFFF  }
tec
execute0_lowered:
.L_overlay_start_1:
0x0: {  	(tag) =	ssettag $0x1  }
0x1: {  	s3 =	rddreg [dreg:$0x0]  }
0x2: {  	s0 =	srdreg.scid;
	s6 =	rddreg [dreg:$0x1]  }
0x3: {  	s5 =	rddreg [dreg:$0x2];
	s4 =	sand.u32 $0x1, s0  }
0x4: {  	s2 =	simm.s32 $0x0;
	s0 =	stileid.u32;
	s1 =	sshll.u32 s4, $0x4  }
0x5: {  	s11 =	simm.s32 $0x80;
	s12 =	simm.s32 $0x100;
	s7 =	sor.u32 s0, s1  }
0x6: {  	s13 =	simm.s32 $0x0;
	s4 =	ssub.s32 $0x2, s4;
	s8 =	smul.u32 $0x4E2, s7  }
0x7: {  	[smem:$0x7FF] =	sst s2;
	s10 =	sshrl.u32 s4, $0x1;
	s7 =	smul.u32 $0xA00, s7  }
0x8: {  	s1 =	rddreg [dreg:$0x3];
	_ =	strace $0x80000047;
	s10 =	ssub.s32 s4, s10  }
0x9: {  	s9 =	sadd.s32 s8, s3;
	s3 =	sadd.s32 $0xBE00, s3;
	s4 =	sadd.s32 s5, s7  }
0xa: {  	s6 =	sadd.s32 s6, s8;
	s8 =	smax.u32 s10, $0x1;
	s10 =	simm.s32 $0x1  }
0xb: {  	v0 =	vimm.f32 $1.000000000e+00;
	s5 =	sadd.s32 $0x2000, s9;
	s7 =	sadd.s32 $0x10, s4;
	s9 =	simm.s32 $0x2780  }
.LBB2_1:
0xc: {  	[tilespmem:s9], [sflag:$0x1] =	stream.linear.gather [hbm4b:s3+s2], $0x2800, $0x38;
	[tilespmem:$0x4F80] =	vst v63  }
0xd: {  	_ =	swait.ge [sflag:s10], $0x2800  }
0xe: {  	[sflag:s10] =	ssyncset.done $0x0  }
0xf: {  	[sflag:s10] =	ssyncadd.s32 $0xFFFFD800  }
0x10: {  	[tilespmem:s2], [sflag:$0x1] =	stream.linear.gather [hbm4b:s5+s2], $0x2710, $0x38;
	[tilespmem:$0x4F80] =	vst v63  }
0x11: {  	_ =	swait.ge [sflag:s10], $0x2710  }
0x12: {  	[sflag:s10] =	ssyncset.done $0x0  }
0x13: {  	s15 =	simm.s32 $0x0;
	s14 =	simm.s32 $0x40;
	[sflag:s10] =	ssyncadd.s32 $0xFFFFD8F0  }
.LBB2_2:
0x14: {  	p0 =	sne.s32 s14, $0x9C00;
	v1 =	vld [tilespmem:s15+$0x0];
	_ =	sdelay $0x3  }
.Ltmp0:
0x15: {  	(pc) =	sbr.rel @p0 .LBB2_2-.Ltmp0, $2  }
0x16: {  	_ =	sdelay $0x2  }
0x17: {  	s15 =	sshra.s32 s14, $0x2;
	s14 =	sadd.s32 $0x40, s14;
	[tilespmem:v1+s9+$0x0] =	vst.idx.add.f32.msk $0xffff, v0  }
0x18: {  	v1 =	vld [tilespmem:s15+$0x0];
	_ =	sdelay $0x7  }
0x19: {  	[tilespmem:v1+s9+$0x0] =	vst.idx.add.f32.msk $0xffff, v0  }
0x1a: {  	[hbm4b:s4+s11] =	stream.strided.scatter [tilespmem:s9], [sflag:$0x1], $0x2800, s12, s11, $0x38;
	[tilespmem:$0x4F80] =	vst v63  }
0x1b: {  	_ =	swait.ge [sflag:s10], $0x2800  }
0x1c: {  	[sflag:s10] =	ssyncset.done $0x0  }
0x1d: {  	s14 =	simm.s32 $0x0;
	[sflag:s10] =	ssyncadd.s32 $0xFFFFD800  }
0x1e: {  	[tilespmem:s9], [sflag:$0x1] =	stream.linear.gather [hbm4b:s3+s14], $0x2800, $0x38;
	[tilespmem:$0x4F80] =	vst v63  }
0x1f: {  	_ =	swait.ge [sflag:s10], $0x2800  }
0x20: {  	[sflag:s10] =	ssyncset.done $0x0  }
0x21: {  	[sflag:s10] =	ssyncadd.s32 $0xFFFFD800  }
0x22: {  	[tilespmem:s14], [sflag:$0x1] =	stream.linear.gather [hbm4b:s6+s14], $0x2710, $0x38;
	[tilespmem:$0x4F80] =	vst v63  }
0x23: {  	_ =	swait.ge [sflag:s10], $0x2710  }
0x24: {  	[sflag:s10] =	ssyncset.done $0x0  }
0x25: {  	s15 =	simm.s32 $0x0;
	s14 =	simm.s32 $0x40;
	[sflag:s10] =	ssyncadd.s32 $0xFFFFD8F0  }
.LBB2_4:
0x26: {  	p0 =	sne.s32 s14, $0x9C00;
	v1 =	vld [tilespmem:s15+$0x0];
	_ =	sdelay $0x3  }
.Ltmp1:
0x27: {  	(pc) =	sbr.rel @p0 .LBB2_4-.Ltmp1, $2  }
0x28: {  	_ =	sdelay $0x2  }
0x29: {  	s15 =	sshra.s32 s14, $0x2;
	s14 =	sadd.s32 $0x40, s14;
	[tilespmem:v1+s9+$0x0] =	vst.idx.add.f32.msk $0xffff, v0  }
0x2a: {  	v1 =	vld [tilespmem:s15+$0x0];
	_ =	sdelay $0x5  }
0x2b: {  	s13 =	sadd.s32 $0x1, s13  }
0x2c: {  	p0 =	sne.s32 s13, s8  }
.Ltmp2:
0x2d: {  	[tilespmem:v1+s9+$0x0] =	vst.idx.add.f32.msk $0xffff, v0;
	(pc) =	sbr.rel @p0 .LBB2_1-.Ltmp2, $4  }
0x2e: {  	[hbm4b:s7+s11] =	stream.strided.scatter [tilespmem:s9], [sflag:$0x1], $0x2800, s12, s11, $0x38;
	[tilespmem:$0x4F80] =	vst v63  }
0x2f: {  	_ =	swait.ge [sflag:s10], $0x2800  }
0x30: {  	[sflag:s10] =	ssyncset.done $0x0  }
0x31: {  	[sflag:s10] =	ssyncadd.s32 $0xFFFFD800  }
0x32: {  	_ =	sfence.sel $0x180000  }
0x33: {  	[bflag:$0x0] =	sbarrier.arrive $0xFFFF  }
0x34: {  	p0 =	sne.s32 s0, $0x0;
	_ =	strace $0x90000047  }
0x35: {  	s0 =	sadd.s32 @!p0 $0x100000, s1;
	[bflag:$0x2] =	sbarrier.arrive $0xFFFF  }
0x36: {  	[sflag:s0] =	ssyncadd.tile.s32 @!p0 $0x1;
	_ =	shalt  }
.Lfunc_end2:
_tile_overlayer_lowered:
.L_overlay_start_2:
0x37: {  	(tag) =	ssettag $0x2  }
0x38: {  	s0 =	rddreg [dreg:$0x0];
	s2 =	stileid.u32  }
0x39: {  	s1 =	rddreg [dreg:$0x1];
	p0 =	sne.s32 s2, $0x0  }
0x3a: {  	s3 =	rddreg [dreg:$0x2];
	[bflag:$0x3] =	sbarrier.arrive $0xFFFF;
	s2 =	simm.s32 @!p0 $0x1C01  }
0x3b: {  	[timem:s3], [sflag:s2] =	dma.local @!p0 [hbm:s0], s1  }
0x3c: {  	s0 =	simm.s32 @!p0 $0x1  }
0x3d: {  	_ =	swait.ge @!p0 [sflag:s0], s1  }
0x3e: {  	s1 =	ssub.s32 @!p0 $0x0, s1;
	[sflag:s0] =	ssyncset.done @!p0 $0x0  }
0x3f: {  	[sflag:s0] =	ssyncadd.s32 @!p0 s1  }
0x40: {  	[bflag:$0x3] =	sbarrier.arrive $0xFFFF  }
0x41: {  	_ =	shalt  }

</sc_bundles>
